<compile_context>
chip_gen: v7x
topology: tpu7x:2x2x1
jax: 0.10.2.dev20260603
libtpu: 0.0.44.dev20260713+nightly
codegen_flags: <defaults>
</compile_context>

<pallas_src>
import functools

import jax
import jax.numpy as jnp
from jax import lax
from jax.experimental import pallas as pl
from jax.experimental.pallas import tpu as pltpu
from jax.experimental.pallas import tpu_sc as plsc

_N = 10000
_E = 320000
_D = 128
_EC = 128
_NCHUNK = _E // _EC
_NSUB = 16
_NWORK = 32
_PIECE = 400
_NPIECE = _N // _PIECE


def _matmul_body(h_ref, w_ref, b_ref, out_ref):
    z = lax.dot_general(h_ref[...], w_ref[...], (((1,), (1,)), ((), ())),
                        preferred_element_type=jnp.float32)
    out_ref[...] = z + b_ref[...]


def _linear(h, W, b):
    rb = 2000
    return pl.pallas_call(
        _matmul_body,
        grid=(_N // rb,),
        in_specs=[
            pl.BlockSpec((rb, _D), lambda i: (i, 0)),
            pl.BlockSpec((_D, _D), lambda i: (0, 0)),
            pl.BlockSpec((1, _D), lambda i: (0, 0)),
        ],
        out_specs=pl.BlockSpec((rb, _D), lambda i: (i, 0)),
        out_shape=jax.ShapeDtypeStruct((_N, _D), jnp.float32),
    )(h, W, b.reshape(1, _D))


_NB = 3
_NMAIN = _NCHUNK // _NWORK


def _sc_body(z, edge_i, out, acc, idx_s, idx_d, rows,
             gsem0, gsem1, gsem2, gsem3, isem0, isem1, isem2, isem3,
             ssem0, ssem1, ssem2, ssem3):
    gsem = (gsem0, gsem1, gsem2, gsem3)
    isem = (isem0, isem1, isem2, isem3)
    ssem = (ssem0, ssem1, ssem2, ssem3)
    c = lax.axis_index("c")
    s = lax.axis_index("s")

    have2 = s < (_NPIECE - _NSUB)
    piece0 = pl.ds(s * _PIECE, _PIECE)
    piece1 = pl.ds((s + _NSUB) * _PIECE, _PIECE)
    pltpu.async_copy(z.at[piece0], acc.at[piece0], ssem0)

    @pl.when(have2)
    def _():
        pltpu.async_copy(z.at[piece1], acc.at[piece1], ssem1)

    def init_wait():
        pltpu.make_async_copy(z.at[piece0], acc.at[piece0], ssem0).wait()

        @pl.when(have2)
        def _():
            pltpu.make_async_copy(z.at[piece1], acc.at[piece1], ssem1).wait()

    w = 2 * s + c
    has_tail = w < (_NCHUNK % _NWORK)

    def chunk_slice(j):
        return pl.ds((w + _NWORK * j) * _EC, _EC)

    def idx_start(j, b):
        pltpu.async_copy(edge_i.at[0, chunk_slice(j)], idx_s.at[b], isem[b])
        pltpu.async_copy(edge_i.at[1, chunk_slice(j)], idx_d.at[b], isem[b])

    def idx_wait(j, b):
        pltpu.make_async_copy(edge_i.at[0, chunk_slice(j)], idx_s.at[b], isem[b]).wait()
        pltpu.make_async_copy(edge_i.at[1, chunk_slice(j)], idx_d.at[b], isem[b]).wait()

    def scatter_drain(b):
        pltpu.make_async_copy(rows.at[b], acc.at[idx_d.at[b]], ssem[b]).wait()

    def gather_start(b):
        pltpu.async_copy(z.at[idx_s.at[b]], rows.at[b], gsem[b])

    def gather_wait(b):
        pltpu.make_async_copy(z.at[idx_s.at[b]], rows.at[b], gsem[b]).wait()

    def scatter_start(b):
        pltpu.async_copy(rows.at[b], acc.at[idx_d.at[b]], ssem[b], add=True)

    idx_start(0, 0)

    @pl.when(has_tail)
    def _():
        idx_start(_NMAIN, 3)

    def group(g, carry):
        for b in range(_NB):
            j = g * _NB + b
            nb = (b + 1) % _NB
            pb = (b + 2) % _NB
            nxt = j + 1

            @pl.when(nxt < _NMAIN)
            def _():
                @pl.when(nxt >= _NB)
                def _():
                    scatter_drain(nb)
                idx_start(nxt, nb)

            idx_wait(j, b)
            gather_start(b)

            @pl.when(j == 1)
            def _():
                init_wait()
                plsc.subcore_barrier()

            @pl.when(j >= 1)
            def _():
                gather_wait(pb)
                scatter_start(pb)
        return carry

    lax.fori_loop(0, _NMAIN // _NB, group, 0)
    last = (_NMAIN - 1) % _NB
    gather_wait(last)
    scatter_start(last)

    scatter_drain(0)

    @pl.when(has_tail)
    def _():
        idx_wait(_NMAIN, 3)
        pltpu.async_copy(z.at[idx_s.at[3]], rows.at[0], gsem[3])

    for b in range(1, _NB):
        scatter_drain(b)

    @pl.when(has_tail)
    def _():
        pltpu.make_async_copy(z.at[idx_s.at[3]], rows.at[0], gsem[3]).wait()
        pltpu.async_copy(rows.at[0], acc.at[idx_d.at[3]], ssem[3], add=True)
        pltpu.make_async_copy(rows.at[0], acc.at[idx_d.at[3]], ssem[3]).wait()

    plsc.subcore_barrier()

    pltpu.async_copy(acc.at[piece0], out.at[c, piece0], isem[0])

    @pl.when(have2)
    def _():
        pltpu.async_copy(acc.at[piece1], out.at[c, piece1], isem[1])

    pltpu.make_async_copy(acc.at[piece0], out.at[c, piece0], isem[0]).wait()

    @pl.when(have2)
    def _():
        pltpu.make_async_copy(acc.at[piece1], out.at[c, piece1], isem[1]).wait()


def _scatter_partials(z, edge_index):
    mesh = plsc.VectorSubcoreMesh(core_axis_name="c", subcore_axis_name="s")
    kern = functools.partial(
        pl.kernel,
        out_type=jax.ShapeDtypeStruct((2, _N, _D), jnp.float32),
        mesh=mesh,
        scratch_types=[
            pltpu.VMEM_SHARED((_N, _D), jnp.float32),
            pltpu.VMEM((_NB + 1, _EC), jnp.int32),
            pltpu.VMEM((_NB + 1, _EC), jnp.int32),
            pltpu.VMEM((_NB, _EC, _D), jnp.float32),
        ] + [pltpu.SemaphoreType.DMA] * 12,
    )(_sc_body)
    return kern(z, edge_index)


def _combine_body(p_ref, z_ref, out_ref):
    out_ref[...] = p_ref[0] + p_ref[1] - z_ref[...]


def _combine(partials, z):
    rb = 2000
    return pl.pallas_call(
        _combine_body,
        grid=(_N // rb,),
        in_specs=[
            pl.BlockSpec((2, rb, _D), lambda i: (0, i, 0)),
            pl.BlockSpec((rb, _D), lambda i: (i, 0)),
        ],
        out_specs=pl.BlockSpec((rb, _D), lambda i: (i, 0)),
        out_shape=jax.ShapeDtypeStruct((_N, _D), jnp.float32),
    )(partials, z)


def kernel(h, edge_index, W, b):
    z = _linear(h, W, b)
    partials = _scatter_partials(z, edge_index.astype(jnp.int32))
    return _combine(partials, z)

# --- scband reference (transcript-rebuilt; emitter-appended) ---
"""Pipeline reference for scband-graph-conv-37709812859405 (READ-ONLY COPY).

The authoritative reference and input builder live on the scoring server;
editing this copy changes nothing except your own understanding.
"""

import jax, jax.numpy as jnp
import numpy as np

N = 10000
E = 320000
D = 128

def setup_inputs(seed: int = 0) -> dict:
    key = jax.random.key(seed)
    k1, k2, k3, k4 = jax.random.split(key, 4)
    h = jax.random.normal(k1, (N, D), dtype=jnp.float32)
    edge_index = jax.random.randint(k2, (2, E), 0, N)
    # nn.Linear(in_dim=128, out_dim=128) params: W is [out_dim, in_dim], b is [out_dim]
    bound = 1.0 / np.sqrt(D)
    W = jax.random.uniform(k3, (D, D), dtype=jnp.float32, minval=-bound, maxval=bound)
    b = jax.random.uniform(k4, (D,), dtype=jnp.float32, minval=-bound, maxval=bound)
    return {"h": h, "edge_index": edge_index, "W": W, "b": b}

def reference(h, edge_index, W, b):
    # out_dim == in_dim, so the torch module takes the `else` branch:
    #   h = linear(h); h = Aggregate(csr, csc, h) + h
    # Aggregate.forward = csr @ x, i.e. out[dst] = sum over edges of x[src]
    z = h @ W.T + b
    src = edge_index[0]
    dst = edge_index[1]
    agg = jax.ops.segment_sum(z[src], dst, num_segments=h.shape[0])
    return agg + z

if __name__ == "__main__":
    import jax
    _d = setup_inputs()
    print(jax.jit(kernel)(*tuple(_d.values())))

</pallas_src>

<mosaic_0001>
#map = affine_map<(d0, d1) -> (0, 0)>
#map1 = affine_map<(d0, d1) -> (0, 0, 0)>
module attributes {stable_mosaic.version = 14 : i64} {
  func.func @_sc_body(%arg0: i32, %arg1: i32, %arg2: memref<10000x128xf32, #tpu.memory_space<hbm>>, %arg3: memref<2x320000xi32, #tpu.memory_space<hbm>>, %arg4: memref<2x10000x128xf32, #tpu.memory_space<hbm>>, %arg5: memref<10000x128xf32, #tpu.memory_space<vmem_shared>>, %arg6: memref<4x128xi32, #tpu.memory_space<vmem>>, %arg7: memref<4x128xi32, #tpu.memory_space<vmem>>, %arg8: memref<3x128x128xf32, #tpu.memory_space<vmem>>, %arg9: memref<!tpu.dma_semaphore, #tpu.memory_space<semaphore_mem>>, %arg10: memref<!tpu.dma_semaphore, #tpu.memory_space<semaphore_mem>>, %arg11: memref<!tpu.dma_semaphore, #tpu.memory_space<semaphore_mem>>, %arg12: memref<!tpu.dma_semaphore, #tpu.memory_space<semaphore_mem>>, %arg13: memref<!tpu.dma_semaphore, #tpu.memory_space<semaphore_mem>>, %arg14: memref<!tpu.dma_semaphore, #tpu.memory_space<semaphore_mem>>, %arg15: memref<!tpu.dma_semaphore, #tpu.memory_space<semaphore_mem>>, %arg16: memref<!tpu.dma_semaphore, #tpu.memory_space<semaphore_mem>>, %arg17: memref<!tpu.dma_semaphore, #tpu.memory_space<semaphore_mem>>, %arg18: memref<!tpu.dma_semaphore, #tpu.memory_space<semaphore_mem>>, %arg19: memref<!tpu.dma_semaphore, #tpu.memory_space<semaphore_mem>>, %arg20: memref<!tpu.dma_semaphore, #tpu.memory_space<semaphore_mem>>) attributes {dimension_semantics = [#tpu.dimension_semantics<core_parallel>, #tpu.dimension_semantics<subcore_parallel>], iteration_bounds = array<i64: 2, 16>, scalar_prefetch = 0 : i64, scratch_operands = 16 : i64, tpu.core_type = #tpu.core_type<sc_vector_subcore>, window_params = [{transform_indices = #map}, {transform_indices = #map}, {transform_indices = #map1}]} {
    %lt3A = arith.constant 9 : i32
    %lt3A_0 = arith.cmpi slt, %arg1, %lt3A : i32
    %mul3A = arith.constant 400 : i32
    %mul3A_1 = arith.muli %arg1, %mul3A : i32
    %add3A = arith.constant 16 : i32
    %add3A_2 = arith.addi %arg1, %add3A : i32
    %mul3A_3 = arith.constant 400 : i32
    %mul3A_4 = arith.muli %add3A_2, %mul3A_3 : i32
    %dma_start3A = arith.constant 0 : i32
    %dma_start3A_5 = tpu.memref_slice %arg5[%mul3A_1, %dma_start3A] : memref<10000x128xf32, #tpu.memory_space<vmem_shared>> -> memref<400x128xf32, #tpu.memory_space<vmem_shared>>
    %dma_start3A_6 = arith.constant 0 : i32
    %dma_start3A_7 = tpu.memref_slice %arg2[%mul3A_1, %dma_start3A_6] : memref<10000x128xf32, #tpu.memory_space<hbm>> -> memref<400x128xf32, #tpu.memory_space<hbm>>
    tpu.enqueue_dma source(%dma_start3A_7 : memref<400x128xf32, #tpu.memory_space<hbm>>) target(%dma_start3A_5 : memref<400x128xf32, #tpu.memory_space<vmem_shared>>) target_semaphore(%arg17 : memref<!tpu.dma_semaphore, #tpu.memory_space<semaphore_mem>>)
    %convert_element_type3A = arith.extui %lt3A_0 : i1 to i32
    %cond3A = arith.constant 0 : i32
    %cond3A_8 = arith.cmpi ne, %convert_element_type3A, %cond3A : i32
    scf.if %cond3A_8 {
      %dma_start3A_135 = arith.constant 0 : i32
      %dma_start3A_136 = tpu.memref_slice %arg5[%mul3A_4, %dma_start3A_135] : memref<10000x128xf32, #tpu.memory_space<vmem_shared>> -> memref<400x128xf32, #tpu.memory_space<vmem_shared>>
      %dma_start3A_137 = arith.constant 0 : i32
      %dma_start3A_138 = tpu.memref_slice %arg2[%mul3A_4, %dma_start3A_137] : memref<10000x128xf32, #tpu.memory_space<hbm>> -> memref<400x128xf32, #tpu.memory_space<hbm>>
      tpu.enqueue_dma source(%dma_start3A_138 : memref<400x128xf32, #tpu.memory_space<hbm>>) target(%dma_start3A_136 : memref<400x128xf32, #tpu.memory_space<vmem_shared>>) target_semaphore(%arg18 : memref<!tpu.dma_semaphore, #tpu.memory_space<semaphore_mem>>)
    } else {
    }
    %mul3A_9 = arith.constant 2 : i32
    %mul3A_10 = arith.muli %mul3A_9, %arg1 : i32
    %add3A_11 = arith.addi %mul3A_10, %arg0 : i32
    %lt3A_12 = arith.constant 4 : i32
    %lt3A_13 = arith.cmpi slt, %add3A_11, %lt3A_12 : i32
    %add3A_14 = arith.constant 0 : i32
    %add3A_15 = arith.addi %add3A_11, %add3A_14 : i32
    %mul3A_16 = arith.constant 128 : i32
    %mul3A_17 = arith.muli %add3A_15, %mul3A_16 : i32
    %dma_start3A_18 = arith.constant 0 : i32
    %dma_start3A_19 = arith.constant 0 : i32
    %dma_start3A_20 = arith.constant 0 : i32
    %dma_start3A_21 = tpu.memref_slice %arg6[%dma_start3A_19, %dma_start3A_20] : memref<4x128xi32, #tpu.memory_space<vmem>> -> memref<1x128xi32, #tpu.memory_space<vmem>>
    %dma_start3A_22 = tpu.memref_squeeze %dma_start3A_21 : memref<1x128xi32, #tpu.memory_space<vmem>> -> memref<128xi32, #tpu.memory_space<vmem>>
    %dma_start3A_23 = tpu.memref_slice %arg3[%dma_start3A_18, %mul3A_17] : memref<2x320000xi32, #tpu.memory_space<hbm>> -> memref<1x128xi32, #tpu.memory_space<hbm>>
    %dma_start3A_24 = tpu.memref_squeeze %dma_start3A_23 : memref<1x128xi32, #tpu.memory_space<hbm>> -> memref<128xi32, #tpu.memory_space<hbm>>
    %dma_start3A_25 = arith.constant 0 : i32
    %dma_start3A_26 = tpu.memref_slice %arg6[%dma_start3A_19, %dma_start3A_25] : memref<4x128xi32, #tpu.memory_space<vmem>> -> memref<1x128xi32, #tpu.memory_space<vmem>>
    %dma_start3A_27 = tpu.memref_squeeze %dma_start3A_26 : memref<1x128xi32, #tpu.memory_space<vmem>> -> memref<128xi32, #tpu.memory_space<vmem>>
    %dma_start3A_28 = tpu.memref_slice %arg3[%dma_start3A_18, %mul3A_17] : memref<2x320000xi32, #tpu.memory_space<hbm>> -> memref<1x128xi32, #tpu.memory_space<hbm>>
    %dma_start3A_29 = tpu.memref_squeeze %dma_start3A_28 : memref<1x128xi32, #tpu.memory_space<hbm>> -> memref<128xi32, #tpu.memory_space<hbm>>
    tpu.enqueue_dma source(%dma_start3A_29 : memref<128xi32, #tpu.memory_space<hbm>>) target(%dma_start3A_27 : memref<128xi32, #tpu.memory_space<vmem>>) target_semaphore(%arg13 : memref<!tpu.dma_semaphore, #tpu.memory_space<semaphore_mem>>)
    %add3A_30 = arith.constant 0 : i32
    %add3A_31 = arith.addi %add3A_11, %add3A_30 : i32
    %mul3A_32 = arith.constant 128 : i32
    %mul3A_33 = arith.muli %add3A_31, %mul3A_32 : i32
    %dma_start3A_34 = arith.constant 1 : i32
    %dma_start3A_35 = arith.constant 0 : i32
    %dma_start3A_36 = arith.constant 0 : i32
    %dma_start3A_37 = tpu.memref_slice %arg7[%dma_start3A_35, %dma_start3A_36] : memref<4x128xi32, #tpu.memory_space<vmem>> -> memref<1x128xi32, #tpu.memory_space<vmem>>
    %dma_start3A_38 = tpu.memref_squeeze %dma_start3A_37 : memref<1x128xi32, #tpu.memory_space<vmem>> -> memref<128xi32, #tpu.memory_space<vmem>>
    %dma_start3A_39 = tpu.memref_slice %arg3[%dma_start3A_34, %mul3A_33] : memref<2x320000xi32, #tpu.memory_space<hbm>> -> memref<1x128xi32, #tpu.memory_space<hbm>>
    %dma_start3A_40 = tpu.memref_squeeze %dma_start3A_39 : memref<1x128xi32, #tpu.memory_space<hbm>> -> memref<128xi32, #tpu.memory_space<hbm>>
    %dma_start3A_41 = arith.constant 0 : i32
    %dma_start3A_42 = tpu.memref_slice %arg7[%dma_start3A_35, %dma_start3A_41] : memref<4x128xi32, #tpu.memory_space<vmem>> -> memref<1x128xi32, #tpu.memory_space<vmem>>
    %dma_start3A_43 = tpu.memref_squeeze %dma_start3A_42 : memref<1x128xi32, #tpu.memory_space<vmem>> -> memref<128xi32, #tpu.memory_space<vmem>>
    %dma_start3A_44 = tpu.memref_slice %arg3[%dma_start3A_34, %mul3A_33] : memref<2x320000xi32, #tpu.memory_space<hbm>> -> memref<1x128xi32, #tpu.memory_space<hbm>>
    %dma_start3A_45 = tpu.memref_squeeze %dma_start3A_44 : memref<1x128xi32, #tpu.memory_space<hbm>> -> memref<128xi32, #tpu.memory_space<hbm>>
    tpu.enqueue_dma source(%dma_start3A_45 : memref<128xi32, #tpu.memory_space<hbm>>) target(%dma_start3A_43 : memref<128xi32, #tpu.memory_space<vmem>>) target_semaphore(%arg13 : memref<!tpu.dma_semaphore, #tpu.memory_space<semaphore_mem>>)
    %convert_element_type3A_46 = arith.extui %lt3A_13 : i1 to i32
    %cond3A_47 = arith.constant 0 : i32
    %cond3A_48 = arith.cmpi ne, %convert_element_type3A_46, %cond3A_47 : i32
    scf.if %cond3A_48 {
      %add3A_135 = arith.constant 2496 : i32
      %add3A_136 = arith.addi %add3A_11, %add3A_135 : i32
      %mul3A_137 = arith.constant 128 : i32
      %mul3A_138 = arith.muli %add3A_136, %mul3A_137 : i32
      %dma_start3A_139 = arith.constant 0 : i32
      %dma_start3A_140 = arith.constant 3 : i32
      %dma_start3A_141 = arith.constant 0 : i32
      %dma_start3A_142 = tpu.memref_slice %arg6[%dma_start3A_140, %dma_start3A_141] : memref<4x128xi32, #tpu.memory_space<vmem>> -> memref<1x128xi32, #tpu.memory_space<vmem>>
      %dma_start3A_143 = tpu.memref_squeeze %dma_start3A_142 : memref<1x128xi32, #tpu.memory_space<vmem>> -> memref<128xi32, #tpu.memory_space<vmem>>
      %dma_start3A_144 = tpu.memref_slice %arg3[%dma_start3A_139, %mul3A_138] : memref<2x320000xi32, #tpu.memory_space<hbm>> -> memref<1x128xi32, #tpu.memory_space<hbm>>
      %dma_start3A_145 = tpu.memref_squeeze %dma_start3A_144 : memref<1x128xi32, #tpu.memory_space<hbm>> -> memref<128xi32, #tpu.memory_space<hbm>>
      %dma_start3A_146 = arith.constant 0 : i32
      %dma_start3A_147 = tpu.memref_slice %arg6[%dma_start3A_140, %dma_start3A_146] : memref<4x128xi32, #tpu.memory_space<vmem>> -> memref<1x128xi32, #tpu.memory_space<vmem>>
      %dma_start3A_148 = tpu.memref_squeeze %dma_start3A_147 : memref<1x128xi32, #tpu.memory_space<vmem>> -> memref<128xi32, #tpu.memory_space<vmem>>
      %dma_start3A_149 = tpu.memref_slice %arg3[%dma_start3A_139, %mul3A_138] : memref<2x320000xi32, #tpu.memory_space<hbm>> -> memref<1x128xi32, #tpu.memory_space<hbm>>
      %dma_start3A_150 = tpu.memref_squeeze %dma_start3A_149 : memref<1x128xi32, #tpu.memory_space<hbm>> -> memref<128xi32, #tpu.memory_space<hbm>>
      tpu.enqueue_dma source(%dma_start3A_150 : memref<128xi32, #tpu.memory_space<hbm>>) target(%dma_start3A_148 : memref<128xi32, #tpu.memory_space<vmem>>) target_semaphore(%arg16 : memref<!tpu.dma_semaphore, #tpu.memory_space<semaphore_mem>>)
      %add3A_151 = arith.constant 2496 : i32
      %add3A_152 = arith.addi %add3A_11, %add3A_151 : i32
      %mul3A_153 = arith.constant 128 : i32
      %mul3A_154 = arith.muli %add3A_152, %mul3A_153 : i32
      %dma_start3A_155 = arith.constant 1 : i32
      %dma_start3A_156 = arith.constant 3 : i32
      %dma_start3A_157 = arith.constant 0 : i32
      %dma_start3A_158 = tpu.memref_slice %arg7[%dma_start3A_156, %dma_start3A_157] : memref<4x128xi32, #tpu.memory_space<vmem>> -> memref<1x128xi32, #tpu.memory_space<vmem>>
      %dma_start3A_159 = tpu.memref_squeeze %dma_start3A_158 : memref<1x128xi32, #tpu.memory_space<vmem>> -> memref<128xi32, #tpu.memory_space<vmem>>
      %dma_start3A_160 = tpu.memref_slice %arg3[%dma_start3A_155, %mul3A_154] : memref<2x320000xi32, #tpu.memory_space<hbm>> -> memref<1x128xi32, #tpu.memory_space<hbm>>
      %dma_start3A_161 = tpu.memref_squeeze %dma_start3A_160 : memref<1x128xi32, #tpu.memory_space<hbm>> -> memref<128xi32, #tpu.memory_space<hbm>>
      %dma_start3A_162 = arith.constant 0 : i32
      %dma_start3A_163 = tpu.memref_slice %arg7[%dma_start3A_156, %dma_start3A_162] : memref<4x128xi32, #tpu.memory_space<vmem>> -> memref<1x128xi32, #tpu.memory_space<vmem>>
      %dma_start3A_164 = tpu.memref_squeeze %dma_start3A_163 : memref<1x128xi32, #tpu.memory_space<vmem>> -> memref<128xi32, #tpu.memory_space<vmem>>
      %dma_start3A_165 = tpu.memref_slice %arg3[%dma_start3A_155, %mul3A_154] : memref<2x320000xi32, #tpu.memory_space<hbm>> -> memref<1x128xi32, #tpu.memory_space<hbm>>
      %dma_start3A_166 = tpu.memref_squeeze %dma_start3A_165 : memref<1x128xi32, #tpu.memory_space<hbm>> -> memref<128xi32, #tpu.memory_space<hbm>>
      tpu.enqueue_dma source(%dma_start3A_166 : memref<128xi32, #tpu.memory_space<hbm>>) target(%dma_start3A_164 : memref<128xi32, #tpu.memory_space<vmem>>) target_semaphore(%arg16 : memref<!tpu.dma_semaphore, #tpu.memory_space<semaphore_mem>>)
    } else {
    }
    %scan3A = arith.constant 0 : i32
    %scan3A_49 = arith.constant 0 : i32
    %scan3A_50 = arith.constant 26 : i32
    %scan3A_51 = arith.addi %scan3A_49, %scan3A_50 : i32
    %scan3A_52 = arith.constant 1 : i32
    scf.for %scan3A_135 = %scan3A_49 to %scan3A_51 step %scan3A_52  : i32 {
      %mul3A_136 = arith.constant 3 : i32
      %mul3A_137 = arith.muli %scan3A_135, %mul3A_136 : i32
      %add3A_138 = arith.constant 0 : i32
      %add3A_139 = arith.addi %mul3A_137, %add3A_138 : i32
      %add3A_140 = arith.constant 1 : i32
      %add3A_141 = arith.addi %add3A_139, %add3A_140 : i32
      %lt3A_142 = arith.constant 78 : i32
      %lt3A_143 = arith.cmpi slt, %add3A_141, %lt3A_142 : i32
      %convert_element_type3A_144 = arith.extui %lt3A_143 : i1 to i32
      %cond3A_145 = arith.constant 0 : i32
      %cond3A_146 = arith.cmpi ne, %convert_element_type3A_144, %cond3A_145 : i32
      scf.if %cond3A_146 {
        %ge3A_335 = arith.constant 3 : i32
        %ge3A_336 = arith.cmpi sge, %add3A_141, %ge3A_335 : i32
        %convert_element_type3A_337 = arith.extui %ge3A_336 : i1 to i32
        %cond3A_338 = arith.constant 0 : i32
        %cond3A_339 = arith.cmpi ne, %convert_element_type3A_337, %cond3A_338 : i32
        scf.if %cond3A_339 {
          %dma_wait3A_374 = arith.constant 1 : i32
          %dma_wait3A_375 = arith.constant 1 : i32
          %dma_wait3A_376 = arith.constant 0 : i32
          %dma_wait3A_377 = arith.constant 0 : i32
          %dma_wait3A_378 = tpu.memref_slice %arg8[%dma_wait3A_374, %dma_wait3A_376, %dma_wait3A_377] : memref<3x128x128xf32, #tpu.memory_space<vmem>> -> memref<1x128x128xf32, #tpu.memory_space<vmem>>
          %dma_wait3A_379 = tpu.memref_squeeze %dma_wait3A_378 : memref<1x128x128xf32, #tpu.memory_space<vmem>> -> memref<128x128xf32, #tpu.memory_space<vmem>>
          %dma_wait3A_380 = arith.constant 0 : i32
          %dma_wait3A_381 = tpu.memref_slice %arg7[%dma_wait3A_375, %dma_wait3A_380] : memref<4x128xi32, #tpu.memory_space<vmem>> -> memref<1x128xi32, #tpu.memory_space<vmem>>
          %dma_wait3A_382 = tpu.memref_squeeze %dma_wait3A_381 : memref<1x128xi32, #tpu.memory_space<vmem>> -> memref<128xi32, #tpu.memory_space<vmem>>
          %dma_wait3A_383 = arith.constant 0 : i32
          %dma_wait3A_384 = arith.constant 0 : i32
          %dma_wait3A_385 = tpu.memref_slice %arg5[%dma_wait3A_383, %dma_wait3A_384] : memref<10000x128xf32, #tpu.memory_space<vmem_shared>> -> memref<10000x128xf32, #tpu.memory_space<vmem_shared>>
          tpu.wait_indirect_dma semaphore(%arg18 : memref<!tpu.dma_semaphore, #tpu.memory_space<semaphore_mem>>) src(%dma_wait3A_379 : memref<128x128xf32, #tpu.memory_space<vmem>>) dst(%dma_wait3A_385 : memref<10000x128xf32, #tpu.memory_space<vmem_shared>>)
        } else {
        }
        %mul3A_340 = arith.constant 32 : i32
        %mul3A_341 = arith.muli %mul3A_340, %add3A_141 : i32
        %add3A_342 = arith.addi %add3A_11, %mul3A_341 : i32
        %mul3A_343 = arith.constant 128 : i32
        %mul3A_344 = arith.muli %add3A_342, %mul3A_343 : i32
        %dma_start3A_345 = arith.constant 0 : i32
        %dma_start3A_346 = arith.constant 1 : i32
        %dma_start3A_347 = arith.constant 0 : i32
        %dma_start3A_348 = tpu.memref_slice %arg6[%dma_start3A_346, %dma_start3A_347] : memref<4x128xi32, #tpu.memory_space<vmem>> -> memref<1x128xi32, #tpu.memory_space<vmem>>
        %dma_start3A_349 = tpu.memref_squeeze %dma_start3A_348 : memref<1x128xi32, #tpu.memory_space<vmem>> -> memref<128xi32, #tpu.memory_space<vmem>>
        %dma_start3A_350 = tpu.memref_slice %arg3[%dma_start3A_345, %mul3A_344] : memref<2x320000xi32, #tpu.memory_space<hbm>> -> memref<1x128xi32, #tpu.memory_space<hbm>>
        %dma_start3A_351 = tpu.memref_squeeze %dma_start3A_350 : memref<1x128xi32, #tpu.memory_space<hbm>> -> memref<128xi32, #tpu.memory_space<hbm>>
        %dma_start3A_352 = arith.constant 0 : i32
        %dma_start3A_353 = tpu.memref_slice %arg6[%dma_start3A_346, %dma_start3A_352] : memref<4x128xi32, #tpu.memory_space<vmem>> -> memref<1x128xi32, #tpu.memory_space<vmem>>
        %dma_start3A_354 = tpu.memref_squeeze %dma_start3A_353 : memref<1x128xi32, #tpu.memory_space<vmem>> -> memref<128xi32, #tpu.memory_space<vmem>>
        %dma_start3A_355 = tpu.memref_slice %arg3[%dma_start3A_345, %mul3A_344] : memref<2x320000xi32, #tpu.memory_space<hbm>> -> memref<1x128xi32, #tpu.memory_space<hbm>>
        %dma_start3A_356 = tpu.memref_squeeze %dma_start3A_355 : memref<1x128xi32, #tpu.memory_space<hbm>> -> memref<128xi32, #tpu.memory_space<hbm>>
        tpu.enqueue_dma source(%dma_start3A_356 : memref<128xi32, #tpu.memory_space<hbm>>) target(%dma_start3A_354 : memref<128xi32, #tpu.memory_space<vmem>>) target_semaphore(%arg14 : memref<!tpu.dma_semaphore, #tpu.memory_space<semaphore_mem>>)
        %mul3A_357 = arith.constant 32 : i32
        %mul3A_358 = arith.muli %mul3A_357, %add3A_141 : i32
        %add3A_359 = arith.addi %add3A_11, %mul3A_358 : i32
        %mul3A_360 = arith.constant 128 : i32
        %mul3A_361 = arith.muli %add3A_359, %mul3A_360 : i32
        %dma_start3A_362 = arith.constant 1 : i32
        %dma_start3A_363 = arith.constant 1 : i32
        %dma_start3A_364 = arith.constant 0 : i32
        %dma_start3A_365 = tpu.memref_slice %arg7[%dma_start3A_363, %dma_start3A_364] : memref<4x128xi32, #tpu.memory_space<vmem>> -> memref<1x128xi32, #tpu.memory_space<vmem>>
        %dma_start3A_366 = tpu.memref_squeeze %dma_start3A_365 : memref<1x128xi32, #tpu.memory_space<vmem>> -> memref<128xi32, #tpu.memory_space<vmem>>
        %dma_start3A_367 = tpu.memref_slice %arg3[%dma_start3A_362, %mul3A_361] : memref<2x320000xi32, #tpu.memory_space<hbm>> -> memref<1x128xi32, #tpu.memory_space<hbm>>
        %dma_start3A_368 = tpu.memref_squeeze %dma_start3A_367 : memref<1x128xi32, #tpu.memory_space<hbm>> -> memref<128xi32, #tpu.memory_space<hbm>>
        %dma_start3A_369 = arith.constant 0 : i32
        %dma_start3A_370 = tpu.memref_slice %arg7[%dma_start3A_363, %dma_start3A_369] : memref<4x128xi32, #tpu.memory_space<vmem>> -> memref<1x128xi32, #tpu.memory_space<vmem>>
        %dma_start3A_371 = tpu.memref_squeeze %dma_start3A_370 : memref<1x128xi32, #tpu.memory_space<vmem>> -> memref<128xi32, #tpu.memory_space<vmem>>
        %dma_start3A_372 = tpu.memref_slice %arg3[%dma_start3A_362, %mul3A_361] : memref<2x320000xi32, #tpu.memory_space<hbm>> -> memref<1x128xi32, #tpu.memory_space<hbm>>
        %dma_start3A_373 = tpu.memref_squeeze %dma_start3A_372 : memref<1x128xi32, #tpu.memory_space<hbm>> -> memref<128xi32, #tpu.memory_space<hbm>>
        tpu.enqueue_dma source(%dma_start3A_373 : memref<128xi32, #tpu.memory_space<hbm>>) target(%dma_start3A_371 : memref<128xi32, #tpu.memory_space<vmem>>) target_semaphore(%arg14 : memref<!tpu.dma_semaphore, #tpu.memory_space<semaphore_mem>>)
      } else {
      }
      %mul3A_147 = arith.constant 32 : i32
      %mul3A_148 = arith.muli %mul3A_147, %add3A_139 : i32
      %add3A_149 = arith.addi %add3A_11, %mul3A_148 : i32
      %mul3A_150 = arith.constant 128 : i32
      %mul3A_151 = arith.muli %add3A_149, %mul3A_150 : i32
      %dma_wait3A_152 = arith.constant 0 : i32
      %dma_wait3A_153 = arith.constant 0 : i32
      %dma_wait3A_154 = arith.constant 0 : i32
      %dma_wait3A_155 = tpu.memref_slice %arg6[%dma_wait3A_153, %dma_wait3A_154] : memref<4x128xi32, #tpu.memory_space<vmem>> -> memref<1x128xi32, #tpu.memory_space<vmem>>
      %dma_wait3A_156 = tpu.memref_squeeze %dma_wait3A_155 : memref<1x128xi32, #tpu.memory_space<vmem>> -> memref<128xi32, #tpu.memory_space<vmem>>
      %dma_wait3A_157 = tpu.memref_slice %arg3[%dma_wait3A_152, %mul3A_151] : memref<2x320000xi32, #tpu.memory_space<hbm>> -> memref<1x128xi32, #tpu.memory_space<hbm>>
      %dma_wait3A_158 = tpu.memref_squeeze %dma_wait3A_157 : memref<1x128xi32, #tpu.memory_space<hbm>> -> memref<128xi32, #tpu.memory_space<hbm>>
      %dma_wait3A_159 = arith.constant 0 : i32
      %dma_wait3A_160 = tpu.memref_slice %arg6[%dma_wait3A_153, %dma_wait3A_159] : memref<4x128xi32, #tpu.memory_space<vmem>> -> memref<1x128xi32, #tpu.memory_space<vmem>>
      %dma_wait3A_161 = tpu.memref_squeeze %dma_wait3A_160 : memref<1x128xi32, #tpu.memory_space<vmem>> -> memref<128xi32, #tpu.memory_space<vmem>>
      %dma_wait3A_162 = tpu.memref_slice %arg3[%dma_wait3A_152, %mul3A_151] : memref<2x320000xi32, #tpu.memory_space<hbm>> -> memref<1x128xi32, #tpu.memory_space<hbm>>
      %dma_wait3A_163 = tpu.memref_squeeze %dma_wait3A_162 : memref<1x128xi32, #tpu.memory_space<hbm>> -> memref<128xi32, #tpu.memory_space<hbm>>
      tpu.wait_dma2 semaphore(%arg13 : memref<!tpu.dma_semaphore, #tpu.memory_space<semaphore_mem>>) src(%dma_wait3A_163 : memref<128xi32, #tpu.memory_space<hbm>>) dst(%dma_wait3A_161 : memref<128xi32, #tpu.memory_space<vmem>>)
      %mul3A_164 = arith.constant 32 : i32
      %mul3A_165 = arith.muli %mul3A_164, %add3A_139 : i32
      %add3A_166 = arith.addi %add3A_11, %mul3A_165 : i32
      %mul3A_167 = arith.constant 128 : i32
      %mul3A_168 = arith.muli %add3A_166, %mul3A_167 : i32
      %dma_wait3A_169 = arith.constant 1 : i32
      %dma_wait3A_170 = arith.constant 0 : i32
      %dma_wait3A_171 = arith.constant 0 : i32
      %dma_wait3A_172 = tpu.memref_slice %arg7[%dma_wait3A_170, %dma_wait3A_171] : memref<4x128xi32, #tpu.memory_space<vmem>> -> memref<1x128xi32, #tpu.memory_space<vmem>>
      %dma_wait3A_173 = tpu.memref_squeeze %dma_wait3A_172 : memref<1x128xi32, #tpu.memory_space<vmem>> -> memref<128xi32, #tpu.memory_space<vmem>>
      %dma_wait3A_174 = tpu.memref_slice %arg3[%dma_wait3A_169, %mul3A_168] : memref<2x320000xi32, #tpu.memory_space<hbm>> -> memref<1x128xi32, #tpu.memory_space<hbm>>
      %dma_wait3A_175 = tpu.memref_squeeze %dma_wait3A_174 : memref<1x128xi32, #tpu.memory_space<hbm>> -> memref<128xi32, #tpu.memory_space<hbm>>
      %dma_wait3A_176 = arith.constant 0 : i32
      %dma_wait3A_177 = tpu.memref_slice %arg7[%dma_wait3A_170, %dma_wait3A_176] : memref<4x128xi32, #tpu.memory_space<vmem>> -> memref<1x128xi32, #tpu.memory_space<vmem>>
      %dma_wait3A_178 = tpu.memref_squeeze %dma_wait3A_177 : memref<1x128xi32, #tpu.memory_space<vmem>> -> memref<128xi32, #tpu.memory_space<vmem>>
      %dma_wait3A_179 = tpu.memref_slice %arg3[%dma_wait3A_169, %mul3A_168] : memref<2x320000xi32, #tpu.memory_space<hbm>> -> memref<1x128xi32, #tpu.memory_space<hbm>>
      %dma_wait3A_180 = tpu.memref_squeeze %dma_wait3A_179 : memref<1x128xi32, #tpu.memory_space<hbm>> -> memref<128xi32, #tpu.memory_space<hbm>>
      tpu.wait_dma2 semaphore(%arg13 : memref<!tpu.dma_semaphore, #tpu.memory_space<semaphore_mem>>) src(%dma_wait3A_180 : memref<128xi32, #tpu.memory_space<hbm>>) dst(%dma_wait3A_178 : memref<128xi32, #tpu.memory_space<vmem>>)
      %dma_start3A_181 = arith.constant 0 : i32
      %dma_start3A_182 = arith.constant 0 : i32
      %dma_start3A_183 = arith.constant 0 : i32
      %dma_start3A_184 = arith.constant 0 : i32
      %dma_start3A_185 = tpu.memref_slice %arg8[%dma_start3A_182, %dma_start3A_183, %dma_start3A_184] : memref<3x128x128xf32, #tpu.memory_space<vmem>> -> memref<1x128x128xf32, #tpu.memory_space<vmem>>
      %dma_start3A_186 = tpu.memref_squeeze %dma_start3A_185 : memref<1x128x128xf32, #tpu.memory_space<vmem>> -> memref<128x128xf32, #tpu.memory_space<vmem>>
      %dma_start3A_187 = arith.constant 0 : i32
      %dma_start3A_188 = tpu.memref_slice %arg6[%dma_start3A_181, %dma_start3A_187] : memref<4x128xi32, #tpu.memory_space<vmem>> -> memref<1x128xi32, #tpu.memory_space<vmem>>
      %dma_start3A_189 = tpu.memref_squeeze %dma_start3A_188 : memref<1x128xi32, #tpu.memory_space<vmem>> -> memref<128xi32, #tpu.memory_space<vmem>>
      %dma_start3A_190 = arith.constant 0 : i32
      %dma_start3A_191 = arith.constant 0 : i32
      %dma_start3A_192 = tpu.memref_slice %arg2[%dma_start3A_190, %dma_start3A_191] : memref<10000x128xf32, #tpu.memory_space<hbm>> -> memref<10000x128xf32, #tpu.memory_space<hbm>>
      tpu.enqueue_indirect_dma source(%dma_start3A_192 : memref<10000x128xf32, #tpu.memory_space<hbm>>) target(%dma_start3A_186 : memref<128x128xf32, #tpu.memory_space<vmem>>) offsets(%dma_start3A_189 : memref<128xi32, #tpu.memory_space<vmem>>) semaphore(%arg9 : memref<!tpu.dma_semaphore, #tpu.memory_space<semaphore_mem>>)
      %eq3A = arith.constant 1 : i32
      %eq3A_193 = arith.cmpi eq, %add3A_139, %eq3A : i32
      %convert_element_type3A_194 = arith.extui %eq3A_193 : i1 to i32
      %cond3A_195 = arith.constant 0 : i32
      %cond3A_196 = arith.cmpi ne, %convert_element_type3A_194, %cond3A_195 : i32
      scf.if %cond3A_196 {
        %dma_wait3A_335 = arith.constant 0 : i32
        %dma_wait3A_336 = tpu.memref_slice %arg5[%mul3A_1, %dma_wait3A_335] : memref<10000x128xf32, #tpu.memory_space<vmem_shared>> -> memref<400x128xf32, #tpu.memory_space<vmem_shared>>
        %dma_wait3A_337 = arith.constant 0 : i32
        %dma_wait3A_338 = tpu.memref_slice %arg2[%mul3A_1, %dma_wait3A_337] : memref<10000x128xf32, #tpu.memory_space<hbm>> -> memref<400x128xf32, #tpu.memory_space<hbm>>
        tpu.wait_dma2 semaphore(%arg17 : memref<!tpu.dma_semaphore, #tpu.memory_space<semaphore_mem>>) src(%dma_wait3A_338 : memref<400x128xf32, #tpu.memory_space<hbm>>) dst(%dma_wait3A_336 : memref<400x128xf32, #tpu.memory_space<vmem_shared>>)
        %convert_element_type3A_339 = arith.extui %lt3A_0 : i1 to i32
        %cond3A_340 = arith.constant 0 : i32
        %cond3A_341 = arith.cmpi ne, %convert_element_type3A_339, %cond3A_340 : i32
        scf.if %cond3A_341 {
          %dma_wait3A_343 = arith.constant 0 : i32
          %dma_wait3A_344 = tpu.memref_slice %arg5[%mul3A_4, %dma_wait3A_343] : memref<10000x128xf32, #tpu.memory_space<vmem_shared>> -> memref<400x128xf32, #tpu.memory_space<vmem_shared>>
          %dma_wait3A_345 = arith.constant 0 : i32
          %dma_wait3A_346 = tpu.memref_slice %arg2[%mul3A_4, %dma_wait3A_345] : memref<10000x128xf32, #tpu.memory_space<hbm>> -> memref<400x128xf32, #tpu.memory_space<hbm>>
          tpu.wait_dma2 semaphore(%arg18 : memref<!tpu.dma_semaphore, #tpu.memory_space<semaphore_mem>>) src(%dma_wait3A_346 : memref<400x128xf32, #tpu.memory_space<hbm>>) dst(%dma_wait3A_344 : memref<400x128xf32, #tpu.memory_space<vmem_shared>>)
        } else {
        }
        %barrier3A_342 = arith.constant 0 : index
        tpu.barrier barrier_id(%barrier3A_342)
      } else {
      }
      %ge3A = arith.constant 1 : i32
      %ge3A_197 = arith.cmpi sge, %add3A_139, %ge3A : i32
      %convert_element_type3A_198 = arith.extui %ge3A_197 : i1 to i32
      %cond3A_199 = arith.constant 0 : i32
      %cond3A_200 = arith.cmpi ne, %convert_element_type3A_198, %cond3A_199 : i32
      scf.if %cond3A_200 {
        %dma_wait3A_335 = arith.constant 2 : i32
        %dma_wait3A_336 = arith.constant 2 : i32
        %dma_wait3A_337 = arith.constant 0 : i32
        %dma_wait3A_338 = arith.constant 0 : i32
        %dma_wait3A_339 = tpu.memref_slice %arg8[%dma_wait3A_336, %dma_wait3A_337, %dma_wait3A_338] : memref<3x128x128xf32, #tpu.memory_space<vmem>> -> memref<1x128x128xf32, #tpu.memory_space<vmem>>
        %dma_wait3A_340 = tpu.memref_squeeze %dma_wait3A_339 : memref<1x128x128xf32, #tpu.memory_space<vmem>> -> memref<128x128xf32, #tpu.memory_space<vmem>>
        %dma_wait3A_341 = arith.constant 0 : i32
        %dma_wait3A_342 = tpu.memref_slice %arg6[%dma_wait3A_335, %dma_wait3A_341] : memref<4x128xi32, #tpu.memory_space<vmem>> -> memref<1x128xi32, #tpu.memory_space<vmem>>
        %dma_wait3A_343 = tpu.memref_squeeze %dma_wait3A_342 : memref<1x128xi32, #tpu.memory_space<vmem>> -> memref<128xi32, #tpu.memory_space<vmem>>
        %dma_wait3A_344 = arith.constant 0 : i32
        %dma_wait3A_345 = arith.constant 0 : i32
        %dma_wait3A_346 = tpu.memref_slice %arg2[%dma_wait3A_344, %dma_wait3A_345] : memref<10000x128xf32, #tpu.memory_space<hbm>> -> memref<10000x128xf32, #tpu.memory_space<hbm>>
        tpu.wait_indirect_dma semaphore(%arg11 : memref<!tpu.dma_semaphore, #tpu.memory_space<semaphore_mem>>) src(%dma_wait3A_346 : memref<10000x128xf32, #tpu.memory_space<hbm>>) dst(%dma_wait3A_340 : memref<128x128xf32, #tpu.memory_space<vmem>>)
        %dma_start3A_347 = arith.constant 2 : i32
        %dma_start3A_348 = arith.constant 2 : i32
        %dma_start3A_349 = arith.constant 0 : i32
        %dma_start3A_350 = arith.constant 0 : i32
        %dma_start3A_351 = tpu.memref_slice %arg8[%dma_start3A_347, %dma_start3A_349, %dma_start3A_350] : memref<3x128x128xf32, #tpu.memory_space<vmem>> -> memref<1x128x128xf32, #tpu.memory_space<vmem>>
        %dma_start3A_352 = tpu.memref_squeeze %dma_start3A_351 : memref<1x128x128xf32, #tpu.memory_space<vmem>> -> memref<128x128xf32, #tpu.memory_space<vmem>>
        %dma_start3A_353 = arith.constant 0 : i32
        %dma_start3A_354 = tpu.memref_slice %arg7[%dma_start3A_348, %dma_start3A_353] : memref<4x128xi32, #tpu.memory_space<vmem>> -> memref<1x128xi32, #tpu.memory_space<vmem>>
        %dma_start3A_355 = tpu.memref_squeeze %dma_start3A_354 : memref<1x128xi32, #tpu.memory_space<vmem>> -> memref<128xi32, #tpu.memory_space<vmem>>
        %dma_start3A_356 = arith.constant 0 : i32
        %dma_start3A_357 = arith.constant 0 : i32
        %dma_start3A_358 = tpu.memref_slice %arg5[%dma_start3A_356, %dma_start3A_357] : memref<10000x128xf32, #tpu.memory_space<vmem_shared>> -> memref<10000x128xf32, #tpu.memory_space<vmem_shared>>
        tpu.enqueue_indirect_dma source(%dma_start3A_352 : memref<128x128xf32, #tpu.memory_space<vmem>>) target(%dma_start3A_358 : memref<10000x128xf32, #tpu.memory_space<vmem_shared>>) offsets(%dma_start3A_355 : memref<128xi32, #tpu.memory_space<vmem>>) semaphore(%arg19 : memref<!tpu.dma_semaphore, #tpu.memory_space<semaphore_mem>>) {add = true}
      } else {
      }
      %mul3A_201 = arith.constant 3 : i32
      %mul3A_202 = arith.muli %scan3A_135, %mul3A_201 : i32
      %add3A_203 = arith.constant 1 : i32
      %add3A_204 = arith.addi %mul3A_202, %add3A_203 : i32
      %add3A_205 = arith.constant 1 : i32
      %add3A_206 = arith.addi %add3A_204, %add3A_205 : i32
      %lt3A_207 = arith.constant 78 : i32
      %lt3A_208 = arith.cmpi slt, %add3A_206, %lt3A_207 : i32
      %convert_element_type3A_209 = arith.extui %lt3A_208 : i1 to i32
      %cond3A_210 = arith.constant 0 : i32
      %cond3A_211 = arith.cmpi ne, %convert_element_type3A_209, %cond3A_210 : i32
      scf.if %cond3A_211 {
        %ge3A_335 = arith.constant 3 : i32
        %ge3A_336 = arith.cmpi sge, %add3A_206, %ge3A_335 : i32
        %convert_element_type3A_337 = arith.extui %ge3A_336 : i1 to i32
        %cond3A_338 = arith.constant 0 : i32
        %cond3A_339 = arith.cmpi ne, %convert_element_type3A_337, %cond3A_338 : i32
        scf.if %cond3A_339 {
          %dma_wait3A_374 = arith.constant 2 : i32
          %dma_wait3A_375 = arith.constant 2 : i32
          %dma_wait3A_376 = arith.constant 0 : i32
          %dma_wait3A_377 = arith.constant 0 : i32
          %dma_wait3A_378 = tpu.memref_slice %arg8[%dma_wait3A_374, %dma_wait3A_376, %dma_wait3A_377] : memref<3x128x128xf32, #tpu.memory_space<vmem>> -> memref<1x128x128xf32, #tpu.memory_space<vmem>>
          %dma_wait3A_379 = tpu.memref_squeeze %dma_wait3A_378 : memref<1x128x128xf32, #tpu.memory_space<vmem>> -> memref<128x128xf32, #tpu.memory_space<vmem>>
          %dma_wait3A_380 = arith.constant 0 : i32
          %dma_wait3A_381 = tpu.memref_slice %arg7[%dma_wait3A_375, %dma_wait3A_380] : memref<4x128xi32, #tpu.memory_space<vmem>> -> memref<1x128xi32, #tpu.memory_space<vmem>>
          %dma_wait3A_382 = tpu.memref_squeeze %dma_wait3A_381 : memref<1x128xi32, #tpu.memory_space<vmem>> -> memref<128xi32, #tpu.memory_space<vmem>>
          %dma_wait3A_383 = arith.constant 0 : i32
          %dma_wait3A_384 = arith.constant 0 : i32
          %dma_wait3A_385 = tpu.memref_slice %arg5[%dma_wait3A_383, %dma_wait3A_384] : memref<10000x128xf32, #tpu.memory_space<vmem_shared>> -> memref<10000x128xf32, #tpu.memory_space<vmem_shared>>
          tpu.wait_indirect_dma semaphore(%arg19 : memref<!tpu.dma_semaphore, #tpu.memory_space<semaphore_mem>>) src(%dma_wait3A_379 : memref<128x128xf32, #tpu.memory_space<vmem>>) dst(%dma_wait3A_385 : memref<10000x128xf32, #tpu.memory_space<vmem_shared>>)
        } else {
        }
        %mul3A_340 = arith.constant 32 : i32
        %mul3A_341 = arith.muli %mul3A_340, %add3A_206 : i32
        %add3A_342 = arith.addi %add3A_11, %mul3A_341 : i32
        %mul3A_343 = arith.constant 128 : i32
        %mul3A_344 = arith.muli %add3A_342, %mul3A_343 : i32
        %dma_start3A_345 = arith.constant 0 : i32
        %dma_start3A_346 = arith.constant 2 : i32
        %dma_start3A_347 = arith.constant 0 : i32
        %dma_start3A_348 = tpu.memref_slice %arg6[%dma_start3A_346, %dma_start3A_347] : memref<4x128xi32, #tpu.memory_space<vmem>> -> memref<1x128xi32, #tpu.memory_space<vmem>>
        %dma_start3A_349 = tpu.memref_squeeze %dma_start3A_348 : memref<1x128xi32, #tpu.memory_space<vmem>> -> memref<128xi32, #tpu.memory_space<vmem>>
        %dma_start3A_350 = tpu.memref_slice %arg3[%dma_start3A_345, %mul3A_344] : memref<2x320000xi32, #tpu.memory_space<hbm>> -> memref<1x128xi32, #tpu.memory_space<hbm>>
        %dma_start3A_351 = tpu.memref_squeeze %dma_start3A_350 : memref<1x128xi32, #tpu.memory_space<hbm>> -> memref<128xi32, #tpu.memory_space<hbm>>
        %dma_start3A_352 = arith.constant 0 : i32
        %dma_start3A_353 = tpu.memref_slice %arg6[%dma_start3A_346, %dma_start3A_352] : memref<4x128xi32, #tpu.memory_space<vmem>> -> memref<1x128xi32, #tpu.memory_space<vmem>>
        %dma_start3A_354 = tpu.memref_squeeze %dma_start3A_353 : memref<1x128xi32, #tpu.memory_space<vmem>> -> memref<128xi32, #tpu.memory_space<vmem>>
        %dma_start3A_355 = tpu.memref_slice %arg3[%dma_start3A_345, %mul3A_344] : memref<2x320000xi32, #tpu.memory_space<hbm>> -> memref<1x128xi32, #tpu.memory_space<hbm>>
        %dma_start3A_356 = tpu.memref_squeeze %dma_start3A_355 : memref<1x128xi32, #tpu.memory_space<hbm>> -> memref<128xi32, #tpu.memory_space<hbm>>
        tpu.enqueue_dma source(%dma_start3A_356 : memref<128xi32, #tpu.memory_space<hbm>>) target(%dma_start3A_354 : memref<128xi32, #tpu.memory_space<vmem>>) target_semaphore(%arg15 : memref<!tpu.dma_semaphore, #tpu.memory_space<semaphore_mem>>)
        %mul3A_357 = arith.constant 32 : i32
        %mul3A_358 = arith.muli %mul3A_357, %add3A_206 : i32
        %add3A_359 = arith.addi %add3A_11, %mul3A_358 : i32
        %mul3A_360 = arith.constant 128 : i32
        %mul3A_361 = arith.muli %add3A_359, %mul3A_360 : i32
        %dma_start3A_362 = arith.constant 1 : i32
        %dma_start3A_363 = arith.constant 2 : i32
        %dma_start3A_364 = arith.constant 0 : i32
        %dma_start3A_365 = tpu.memref_slice %arg7[%dma_start3A_363, %dma_start3A_364] : memref<4x128xi32, #tpu.memory_space<vmem>> -> memref<1x128xi32, #tpu.memory_space<vmem>>
        %dma_start3A_366 = tpu.memref_squeeze %dma_start3A_365 : memref<1x128xi32, #tpu.memory_space<vmem>> -> memref<128xi32, #tpu.memory_space<vmem>>
        %dma_start3A_367 = tpu.memref_slice %arg3[%dma_start3A_362, %mul3A_361] : memref<2x320000xi32, #tpu.memory_space<hbm>> -> memref<1x128xi32, #tpu.memory_space<hbm>>
        %dma_start3A_368 = tpu.memref_squeeze %dma_start3A_367 : memref<1x128xi32, #tpu.memory_space<hbm>> -> memref<128xi32, #tpu.memory_space<hbm>>
        %dma_start3A_369 = arith.constant 0 : i32
        %dma_start3A_370 = tpu.memref_slice %arg7[%dma_start3A_363, %dma_start3A_369] : memref<4x128xi32, #tpu.memory_space<vmem>> -> memref<1x128xi32, #tpu.memory_space<vmem>>
        %dma_start3A_371 = tpu.memref_squeeze %dma_start3A_370 : memref<1x128xi32, #tpu.memory_space<vmem>> -> memref<128xi32, #tpu.memory_space<vmem>>
        %dma_start3A_372 = tpu.memref_slice %arg3[%dma_start3A_362, %mul3A_361] : memref<2x320000xi32, #tpu.memory_space<hbm>> -> memref<1x128xi32, #tpu.memory_space<hbm>>
        %dma_start3A_373 = tpu.memref_squeeze %dma_start3A_372 : memref<1x128xi32, #tpu.memory_space<hbm>> -> memref<128xi32, #tpu.memory_space<hbm>>
        tpu.enqueue_dma source(%dma_start3A_373 : memref<128xi32, #tpu.memory_space<hbm>>) target(%dma_start3A_371 : memref<128xi32, #tpu.memory_space<vmem>>) target_semaphore(%arg15 : memref<!tpu.dma_semaphore, #tpu.memory_space<semaphore_mem>>)
      } else {
      }
      %mul3A_212 = arith.constant 32 : i32
      %mul3A_213 = arith.muli %mul3A_212, %add3A_204 : i32
      %add3A_214 = arith.addi %add3A_11, %mul3A_213 : i32
      %mul3A_215 = arith.constant 128 : i32
      %mul3A_216 = arith.muli %add3A_214, %mul3A_215 : i32
      %dma_wait3A_217 = arith.constant 0 : i32
      %dma_wait3A_218 = arith.constant 1 : i32
      %dma_wait3A_219 = arith.constant 0 : i32
      %dma_wait3A_220 = tpu.memref_slice %arg6[%dma_wait3A_218, %dma_wait3A_219] : memref<4x128xi32, #tpu.memory_space<vmem>> -> memref<1x128xi32, #tpu.memory_space<vmem>>
      %dma_wait3A_221 = tpu.memref_squeeze %dma_wait3A_220 : memref<1x128xi32, #tpu.memory_space<vmem>> -> memref<128xi32, #tpu.memory_space<vmem>>
      %dma_wait3A_222 = tpu.memref_slice %arg3[%dma_wait3A_217, %mul3A_216] : memref<2x320000xi32, #tpu.memory_space<hbm>> -> memref<1x128xi32, #tpu.memory_space<hbm>>
      %dma_wait3A_223 = tpu.memref_squeeze %dma_wait3A_222 : memref<1x128xi32, #tpu.memory_space<hbm>> -> memref<128xi32, #tpu.memory_space<hbm>>
      %dma_wait3A_224 = arith.constant 0 : i32
      %dma_wait3A_225 = tpu.memref_slice %arg6[%dma_wait3A_218, %dma_wait3A_224] : memref<4x128xi32, #tpu.memory_space<vmem>> -> memref<1x128xi32, #tpu.memory_space<vmem>>
      %dma_wait3A_226 = tpu.memref_squeeze %dma_wait3A_225 : memref<1x128xi32, #tpu.memory_space<vmem>> -> memref<128xi32, #tpu.memory_space<vmem>>
      %dma_wait3A_227 = tpu.memref_slice %arg3[%dma_wait3A_217, %mul3A_216] : memref<2x320000xi32, #tpu.memory_space<hbm>> -> memref<1x128xi32, #tpu.memory_space<hbm>>
      %dma_wait3A_228 = tpu.memref_squeeze %dma_wait3A_227 : memref<1x128xi32, #tpu.memory_space<hbm>> -> memref<128xi32, #tpu.memory_space<hbm>>
      tpu.wait_dma2 semaphore(%arg14 : memref<!tpu.dma_semaphore, #tpu.memory_space<semaphore_mem>>) src(%dma_wait3A_228 : memref<128xi32, #tpu.memory_space<hbm>>) dst(%dma_wait3A_226 : memref<128xi32, #tpu.memory_space<vmem>>)
      %mul3A_229 = arith.constant 32 : i32
      %mul3A_230 = arith.muli %mul3A_229, %add3A_204 : i32
      %add3A_231 = arith.addi %add3A_11, %mul3A_230 : i32
      %mul3A_232 = arith.constant 128 : i32
      %mul3A_233 = arith.muli %add3A_231, %mul3A_232 : i32
      %dma_wait3A_234 = arith.constant 1 : i32
      %dma_wait3A_235 = arith.constant 1 : i32
      %dma_wait3A_236 = arith.constant 0 : i32
      %dma_wait3A_237 = tpu.memref_slice %arg7[%dma_wait3A_235, %dma_wait3A_236] : memref<4x128xi32, #tpu.memory_space<vmem>> -> memref<1x128xi32, #tpu.memory_space<vmem>>
      %dma_wait3A_238 = tpu.memref_squeeze %dma_wait3A_237 : memref<1x128xi32, #tpu.memory_space<vmem>> -> memref<128xi32, #tpu.memory_space<vmem>>
      %dma_wait3A_239 = tpu.memref_slice %arg3[%dma_wait3A_234, %mul3A_233] : memref<2x320000xi32, #tpu.memory_space<hbm>> -> memref<1x128xi32, #tpu.memory_space<hbm>>
      %dma_wait3A_240 = tpu.memref_squeeze %dma_wait3A_239 : memref<1x128xi32, #tpu.memory_space<hbm>> -> memref<128xi32, #tpu.memory_space<hbm>>
      %dma_wait3A_241 = arith.constant 0 : i32
      %dma_wait3A_242 = tpu.memref_slice %arg7[%dma_wait3A_235, %dma_wait3A_241] : memref<4x128xi32, #tpu.memory_space<vmem>> -> memref<1x128xi32, #tpu.memory_space<vmem>>
      %dma_wait3A_243 = tpu.memref_squeeze %dma_wait3A_242 : memref<1x128xi32, #tpu.memory_space<vmem>> -> memref<128xi32, #tpu.memory_space<vmem>>
      %dma_wait3A_244 = tpu.memref_slice %arg3[%dma_wait3A_234, %mul3A_233] : memref<2x320000xi32, #tpu.memory_space<hbm>> -> memref<1x128xi32, #tpu.memory_space<hbm>>
      %dma_wait3A_245 = tpu.memref_squeeze %dma_wait3A_244 : memref<1x128xi32, #tpu.memory_space<hbm>> -> memref<128xi32, #tpu.memory_space<hbm>>
      tpu.wait_dma2 semaphore(%arg14 : memref<!tpu.dma_semaphore, #tpu.memory_space<semaphore_mem>>) src(%dma_wait3A_245 : memref<128xi32, #tpu.memory_space<hbm>>) dst(%dma_wait3A_243 : memref<128xi32, #tpu.memory_space<vmem>>)
      %dma_start3A_246 = arith.constant 1 : i32
      %dma_start3A_247 = arith.constant 1 : i32
      %dma_start3A_248 = arith.constant 0 : i32
      %dma_start3A_249 = arith.constant 0 : i32
      %dma_start3A_250 = tpu.memref_slice %arg8[%dma_start3A_247, %dma_start3A_248, %dma_start3A_249] : memref<3x128x128xf32, #tpu.memory_space<vmem>> -> memref<1x128x128xf32, #tpu.memory_space<vmem>>
      %dma_start3A_251 = tpu.memref_squeeze %dma_start3A_250 : memref<1x128x128xf32, #tpu.memory_space<vmem>> -> memref<128x128xf32, #tpu.memory_space<vmem>>
      %dma_start3A_252 = arith.constant 0 : i32
      %dma_start3A_253 = tpu.memref_slice %arg6[%dma_start3A_246, %dma_start3A_252] : memref<4x128xi32, #tpu.memory_space<vmem>> -> memref<1x128xi32, #tpu.memory_space<vmem>>
      %dma_start3A_254 = tpu.memref_squeeze %dma_start3A_253 : memref<1x128xi32, #tpu.memory_space<vmem>> -> memref<128xi32, #tpu.memory_space<vmem>>
      %dma_start3A_255 = arith.constant 0 : i32
      %dma_start3A_256 = arith.constant 0 : i32
      %dma_start3A_257 = tpu.memref_slice %arg2[%dma_start3A_255, %dma_start3A_256] : memref<10000x128xf32, #tpu.memory_space<hbm>> -> memref<10000x128xf32, #tpu.memory_space<hbm>>
      tpu.enqueue_indirect_dma source(%dma_start3A_257 : memref<10000x128xf32, #tpu.memory_space<hbm>>) target(%dma_start3A_251 : memref<128x128xf32, #tpu.memory_space<vmem>>) offsets(%dma_start3A_254 : memref<128xi32, #tpu.memory_space<vmem>>) semaphore(%arg10 : memref<!tpu.dma_semaphore, #tpu.memory_space<semaphore_mem>>)
      %eq3A_258 = arith.constant 1 : i32
      %eq3A_259 = arith.cmpi eq, %add3A_204, %eq3A_258 : i32
      %convert_element_type3A_260 = arith.extui %eq3A_259 : i1 to i32
      %cond3A_261 = arith.constant 0 : i32
      %cond3A_262 = arith.cmpi ne, %convert_element_type3A_260, %cond3A_261 : i32
      scf.if %cond3A_262 {
        %dma_wait3A_335 = arith.constant 0 : i32
        %dma_wait3A_336 = tpu.memref_slice %arg5[%mul3A_1, %dma_wait3A_335] : memref<10000x128xf32, #tpu.memory_space<vmem_shared>> -> memref<400x128xf32, #tpu.memory_space<vmem_shared>>
        %dma_wait3A_337 = arith.constant 0 : i32
        %dma_wait3A_338 = tpu.memref_slice %arg2[%mul3A_1, %dma_wait3A_337] : memref<10000x128xf32, #tpu.memory_space<hbm>> -> memref<400x128xf32, #tpu.memory_space<hbm>>
        tpu.wait_dma2 semaphore(%arg17 : memref<!tpu.dma_semaphore, #tpu.memory_space<semaphore_mem>>) src(%dma_wait3A_338 : memref<400x128xf32, #tpu.memory_space<hbm>>) dst(%dma_wait3A_336 : memref<400x128xf32, #tpu.memory_space<vmem_shared>>)
        %convert_element_type3A_339 = arith.extui %lt3A_0 : i1 to i32
        %cond3A_340 = arith.constant 0 : i32
        %cond3A_341 = arith.cmpi ne, %convert_element_type3A_339, %cond3A_340 : i32
        scf.if %cond3A_341 {
          %dma_wait3A_343 = arith.constant 0 : i32
          %dma_wait3A_344 = tpu.memref_slice %arg5[%mul3A_4, %dma_wait3A_343] : memref<10000x128xf32, #tpu.memory_space<vmem_shared>> -> memref<400x128xf32, #tpu.memory_space<vmem_shared>>
          %dma_wait3A_345 = arith.constant 0 : i32
          %dma_wait3A_346 = tpu.memref_slice %arg2[%mul3A_4, %dma_wait3A_345] : memref<10000x128xf32, #tpu.memory_space<hbm>> -> memref<400x128xf32, #tpu.memory_space<hbm>>
          tpu.wait_dma2 semaphore(%arg18 : memref<!tpu.dma_semaphore, #tpu.memory_space<semaphore_mem>>) src(%dma_wait3A_346 : memref<400x128xf32, #tpu.memory_space<hbm>>) dst(%dma_wait3A_344 : memref<400x128xf32, #tpu.memory_space<vmem_shared>>)
        } else {
        }
        %barrier3A_342 = arith.constant 0 : index
        tpu.barrier barrier_id(%barrier3A_342)
      } else {
      }
      %ge3A_263 = arith.constant 1 : i32
      %ge3A_264 = arith.cmpi sge, %add3A_204, %ge3A_263 : i32
      %convert_element_type3A_265 = arith.extui %ge3A_264 : i1 to i32
      %cond3A_266 = arith.constant 0 : i32
      %cond3A_267 = arith.cmpi ne, %convert_element_type3A_265, %cond3A_266 : i32
      scf.if %cond3A_267 {
        %dma_wait3A_335 = arith.constant 0 : i32
        %dma_wait3A_336 = arith.constant 0 : i32
        %dma_wait3A_337 = arith.constant 0 : i32
        %dma_wait3A_338 = arith.constant 0 : i32
        %dma_wait3A_339 = tpu.memref_slice %arg8[%dma_wait3A_336, %dma_wait3A_337, %dma_wait3A_338] : memref<3x128x128xf32, #tpu.memory_space<vmem>> -> memref<1x128x128xf32, #tpu.memory_space<vmem>>
        %dma_wait3A_340 = tpu.memref_squeeze %dma_wait3A_339 : memref<1x128x128xf32, #tpu.memory_space<vmem>> -> memref<128x128xf32, #tpu.memory_space<vmem>>
        %dma_wait3A_341 = arith.constant 0 : i32
        %dma_wait3A_342 = tpu.memref_slice %arg6[%dma_wait3A_335, %dma_wait3A_341] : memref<4x128xi32, #tpu.memory_space<vmem>> -> memref<1x128xi32, #tpu.memory_space<vmem>>
        %dma_wait3A_343 = tpu.memref_squeeze %dma_wait3A_342 : memref<1x128xi32, #tpu.memory_space<vmem>> -> memref<128xi32, #tpu.memory_space<vmem>>
        %dma_wait3A_344 = arith.constant 0 : i32
        %dma_wait3A_345 = arith.constant 0 : i32
        %dma_wait3A_346 = tpu.memref_slice %arg2[%dma_wait3A_344, %dma_wait3A_345] : memref<10000x128xf32, #tpu.memory_space<hbm>> -> memref<10000x128xf32, #tpu.memory_space<hbm>>
        tpu.wait_indirect_dma semaphore(%arg9 : memref<!tpu.dma_semaphore, #tpu.memory_space<semaphore_mem>>) src(%dma_wait3A_346 : memref<10000x128xf32, #tpu.memory_space<hbm>>) dst(%dma_wait3A_340 : memref<128x128xf32, #tpu.memory_space<vmem>>)
        %dma_start3A_347 = arith.constant 0 : i32
        %dma_start3A_348 = arith.constant 0 : i32
        %dma_start3A_349 = arith.constant 0 : i32
        %dma_start3A_350 = arith.constant 0 : i32
        %dma_start3A_351 = tpu.memref_slice %arg8[%dma_start3A_347, %dma_start3A_349, %dma_start3A_350] : memref<3x128x128xf32, #tpu.memory_space<vmem>> -> memref<1x128x128xf32, #tpu.memory_space<vmem>>
        %dma_start3A_352 = tpu.memref_squeeze %dma_start3A_351 : memref<1x128x128xf32, #tpu.memory_space<vmem>> -> memref<128x128xf32, #tpu.memory_space<vmem>>
        %dma_start3A_353 = arith.constant 0 : i32
        %dma_start3A_354 = tpu.memref_slice %arg7[%dma_start3A_348, %dma_start3A_353] : memref<4x128xi32, #tpu.memory_space<vmem>> -> memref<1x128xi32, #tpu.memory_space<vmem>>
        %dma_start3A_355 = tpu.memref_squeeze %dma_start3A_354 : memref<1x128xi32, #tpu.memory_space<vmem>> -> memref<128xi32, #tpu.memory_space<vmem>>
        %dma_start3A_356 = arith.constant 0 : i32
        %dma_start3A_357 = arith.constant 0 : i32
        %dma_start3A_358 = tpu.memref_slice %arg5[%dma_start3A_356, %dma_start3A_357] : memref<10000x128xf32, #tpu.memory_space<vmem_shared>> -> memref<10000x128xf32, #tpu.memory_space<vmem_shared>>
        tpu.enqueue_indirect_dma source(%dma_start3A_352 : memref<128x128xf32, #tpu.memory_space<vmem>>) target(%dma_start3A_358 : memref<10000x128xf32, #tpu.memory_space<vmem_shared>>) offsets(%dma_start3A_355 : memref<128xi32, #tpu.memory_space<vmem>>) semaphore(%arg17 : memref<!tpu.dma_semaphore, #tpu.memory_space<semaphore_mem>>) {add = true}
      } else {
      }
      %mul3A_268 = arith.constant 3 : i32
      %mul3A_269 = arith.muli %scan3A_135, %mul3A_268 : i32
      %add3A_270 = arith.constant 2 : i32
      %add3A_271 = arith.addi %mul3A_269, %add3A_270 : i32
      %add3A_272 = arith.constant 1 : i32
      %add3A_273 = arith.addi %add3A_271, %add3A_272 : i32
      %lt3A_274 = arith.constant 78 : i32
      %lt3A_275 = arith.cmpi slt, %add3A_273, %lt3A_274 : i32
      %convert_element_type3A_276 = arith.extui %lt3A_275 : i1 to i32
      %cond3A_277 = arith.constant 0 : i32
      %cond3A_278 = arith.cmpi ne, %convert_element_type3A_276, %cond3A_277 : i32
      scf.if %cond3A_278 {
        %ge3A_335 = arith.constant 3 : i32
        %ge3A_336 = arith.cmpi sge, %add3A_273, %ge3A_335 : i32
        %convert_element_type3A_337 = arith.extui %ge3A_336 : i1 to i32
        %cond3A_338 = arith.constant 0 : i32
        %cond3A_339 = arith.cmpi ne, %convert_element_type3A_337, %cond3A_338 : i32
        scf.if %cond3A_339 {
          %dma_wait3A_374 = arith.constant 0 : i32
          %dma_wait3A_375 = arith.constant 0 : i32
          %dma_wait3A_376 = arith.constant 0 : i32
          %dma_wait3A_377 = arith.constant 0 : i32
          %dma_wait3A_378 = tpu.memref_slice %arg8[%dma_wait3A_374, %dma_wait3A_376, %dma_wait3A_377] : memref<3x128x128xf32, #tpu.memory_space<vmem>> -> memref<1x128x128xf32, #tpu.memory_space<vmem>>
          %dma_wait3A_379 = tpu.memref_squeeze %dma_wait3A_378 : memref<1x128x128xf32, #tpu.memory_space<vmem>> -> memref<128x128xf32, #tpu.memory_space<vmem>>
          %dma_wait3A_380 = arith.constant 0 : i32
          %dma_wait3A_381 = tpu.memref_slice %arg7[%dma_wait3A_375, %dma_wait3A_380] : memref<4x128xi32, #tpu.memory_space<vmem>> -> memref<1x128xi32, #tpu.memory_space<vmem>>
          %dma_wait3A_382 = tpu.memref_squeeze %dma_wait3A_381 : memref<1x128xi32, #tpu.memory_space<vmem>> -> memref<128xi32, #tpu.memory_space<vmem>>
          %dma_wait3A_383 = arith.constant 0 : i32
          %dma_wait3A_384 = arith.constant 0 : i32
          %dma_wait3A_385 = tpu.memref_slice %arg5[%dma_wait3A_383, %dma_wait3A_384] : memref<10000x128xf32, #tpu.memory_space<vmem_shared>> -> memref<10000x128xf32, #tpu.memory_space<vmem_shared>>
          tpu.wait_indirect_dma semaphore(%arg17 : memref<!tpu.dma_semaphore, #tpu.memory_space<semaphore_mem>>) src(%dma_wait3A_379 : memref<128x128xf32, #tpu.memory_space<vmem>>) dst(%dma_wait3A_385 : memref<10000x128xf32, #tpu.memory_space<vmem_shared>>)
        } else {
        }
        %mul3A_340 = arith.constant 32 : i32
        %mul3A_341 = arith.muli %mul3A_340, %add3A_273 : i32
        %add3A_342 = arith.addi %add3A_11, %mul3A_341 : i32
        %mul3A_343 = arith.constant 128 : i32
        %mul3A_344 = arith.muli %add3A_342, %mul3A_343 : i32
        %dma_start3A_345 = arith.constant 0 : i32
        %dma_start3A_346 = arith.constant 0 : i32
        %dma_start3A_347 = arith.constant 0 : i32
        %dma_start3A_348 = tpu.memref_slice %arg6[%dma_start3A_346, %dma_start3A_347] : memref<4x128xi32, #tpu.memory_space<vmem>> -> memref<1x128xi32, #tpu.memory_space<vmem>>
        %dma_start3A_349 = tpu.memref_squeeze %dma_start3A_348 : memref<1x128xi32, #tpu.memory_space<vmem>> -> memref<128xi32, #tpu.memory_space<vmem>>
        %dma_start3A_350 = tpu.memref_slice %arg3[%dma_start3A_345, %mul3A_344] : memref<2x320000xi32, #tpu.memory_space<hbm>> -> memref<1x128xi32, #tpu.memory_space<hbm>>
        %dma_start3A_351 = tpu.memref_squeeze %dma_start3A_350 : memref<1x128xi32, #tpu.memory_space<hbm>> -> memref<128xi32, #tpu.memory_space<hbm>>
        %dma_start3A_352 = arith.constant 0 : i32
        %dma_start3A_353 = tpu.memref_slice %arg6[%dma_start3A_346, %dma_start3A_352] : memref<4x128xi32, #tpu.memory_space<vmem>> -> memref<1x128xi32, #tpu.memory_space<vmem>>
        %dma_start3A_354 = tpu.memref_squeeze %dma_start3A_353 : memref<1x128xi32, #tpu.memory_space<vmem>> -> memref<128xi32, #tpu.memory_space<vmem>>
        %dma_start3A_355 = tpu.memref_slice %arg3[%dma_start3A_345, %mul3A_344] : memref<2x320000xi32, #tpu.memory_space<hbm>> -> memref<1x128xi32, #tpu.memory_space<hbm>>
        %dma_start3A_356 = tpu.memref_squeeze %dma_start3A_355 : memref<1x128xi32, #tpu.memory_space<hbm>> -> memref<128xi32, #tpu.memory_space<hbm>>
        tpu.enqueue_dma source(%dma_start3A_356 : memref<128xi32, #tpu.memory_space<hbm>>) target(%dma_start3A_354 : memref<128xi32, #tpu.memory_space<vmem>>) target_semaphore(%arg13 : memref<!tpu.dma_semaphore, #tpu.memory_space<semaphore_mem>>)
        %mul3A_357 = arith.constant 32 : i32
        %mul3A_358 = arith.muli %mul3A_357, %add3A_273 : i32
        %add3A_359 = arith.addi %add3A_11, %mul3A_358 : i32
        %mul3A_360 = arith.constant 128 : i32
        %mul3A_361 = arith.muli %add3A_359, %mul3A_360 : i32
        %dma_start3A_362 = arith.constant 1 : i32
        %dma_start3A_363 = arith.constant 0 : i32
        %dma_start3A_364 = arith.constant 0 : i32
        %dma_start3A_365 = tpu.memref_slice %arg7[%dma_start3A_363, %dma_start3A_364] : memref<4x128xi32, #tpu.memory_space<vmem>> -> memref<1x128xi32, #tpu.memory_space<vmem>>
        %dma_start3A_366 = tpu.memref_squeeze %dma_start3A_365 : memref<1x128xi32, #tpu.memory_space<vmem>> -> memref<128xi32, #tpu.memory_space<vmem>>
        %dma_start3A_367 = tpu.memref_slice %arg3[%dma_start3A_362, %mul3A_361] : memref<2x320000xi32, #tpu.memory_space<hbm>> -> memref<1x128xi32, #tpu.memory_space<hbm>>
        %dma_start3A_368 = tpu.memref_squeeze %dma_start3A_367 : memref<1x128xi32, #tpu.memory_space<hbm>> -> memref<128xi32, #tpu.memory_space<hbm>>
        %dma_start3A_369 = arith.constant 0 : i32
        %dma_start3A_370 = tpu.memref_slice %arg7[%dma_start3A_363, %dma_start3A_369] : memref<4x128xi32, #tpu.memory_space<vmem>> -> memref<1x128xi32, #tpu.memory_space<vmem>>
        %dma_start3A_371 = tpu.memref_squeeze %dma_start3A_370 : memref<1x128xi32, #tpu.memory_space<vmem>> -> memref<128xi32, #tpu.memory_space<vmem>>
        %dma_start3A_372 = tpu.memref_slice %arg3[%dma_start3A_362, %mul3A_361] : memref<2x320000xi32, #tpu.memory_space<hbm>> -> memref<1x128xi32, #tpu.memory_space<hbm>>
        %dma_start3A_373 = tpu.memref_squeeze %dma_start3A_372 : memref<1x128xi32, #tpu.memory_space<hbm>> -> memref<128xi32, #tpu.memory_space<hbm>>
        tpu.enqueue_dma source(%dma_start3A_373 : memref<128xi32, #tpu.memory_space<hbm>>) target(%dma_start3A_371 : memref<128xi32, #tpu.memory_space<vmem>>) target_semaphore(%arg13 : memref<!tpu.dma_semaphore, #tpu.memory_space<semaphore_mem>>)
      } else {
      }
      %mul3A_279 = arith.constant 32 : i32
      %mul3A_280 = arith.muli %mul3A_279, %add3A_271 : i32
      %add3A_281 = arith.addi %add3A_11, %mul3A_280 : i32
      %mul3A_282 = arith.constant 128 : i32
      %mul3A_283 = arith.muli %add3A_281, %mul3A_282 : i32
      %dma_wait3A_284 = arith.constant 0 : i32
      %dma_wait3A_285 = arith.constant 2 : i32
      %dma_wait3A_286 = arith.constant 0 : i32
      %dma_wait3A_287 = tpu.memref_slice %arg6[%dma_wait3A_285, %dma_wait3A_286] : memref<4x128xi32, #tpu.memory_space<vmem>> -> memref<1x128xi32, #tpu.memory_space<vmem>>
      %dma_wait3A_288 = tpu.memref_squeeze %dma_wait3A_287 : memref<1x128xi32, #tpu.memory_space<vmem>> -> memref<128xi32, #tpu.memory_space<vmem>>
      %dma_wait3A_289 = tpu.memref_slice %arg3[%dma_wait3A_284, %mul3A_283] : memref<2x320000xi32, #tpu.memory_space<hbm>> -> memref<1x128xi32, #tpu.memory_space<hbm>>
      %dma_wait3A_290 = tpu.memref_squeeze %dma_wait3A_289 : memref<1x128xi32, #tpu.memory_space<hbm>> -> memref<128xi32, #tpu.memory_space<hbm>>
      %dma_wait3A_291 = arith.constant 0 : i32
      %dma_wait3A_292 = tpu.memref_slice %arg6[%dma_wait3A_285, %dma_wait3A_291] : memref<4x128xi32, #tpu.memory_space<vmem>> -> memref<1x128xi32, #tpu.memory_space<vmem>>
      %dma_wait3A_293 = tpu.memref_squeeze %dma_wait3A_292 : memref<1x128xi32, #tpu.memory_space<vmem>> -> memref<128xi32, #tpu.memory_space<vmem>>
      %dma_wait3A_294 = tpu.memref_slice %arg3[%dma_wait3A_284, %mul3A_283] : memref<2x320000xi32, #tpu.memory_space<hbm>> -> memref<1x128xi32, #tpu.memory_space<hbm>>
      %dma_wait3A_295 = tpu.memref_squeeze %dma_wait3A_294 : memref<1x128xi32, #tpu.memory_space<hbm>> -> memref<128xi32, #tpu.memory_space<hbm>>
      tpu.wait_dma2 semaphore(%arg15 : memref<!tpu.dma_semaphore, #tpu.memory_space<semaphore_mem>>) src(%dma_wait3A_295 : memref<128xi32, #tpu.memory_space<hbm>>) dst(%dma_wait3A_293 : memref<128xi32, #tpu.memory_space<vmem>>)
      %mul3A_296 = arith.constant 32 : i32
      %mul3A_297 = arith.muli %mul3A_296, %add3A_271 : i32
      %add3A_298 = arith.addi %add3A_11, %mul3A_297 : i32
      %mul3A_299 = arith.constant 128 : i32
      %mul3A_300 = arith.muli %add3A_298, %mul3A_299 : i32
      %dma_wait3A_301 = arith.constant 1 : i32
      %dma_wait3A_302 = arith.constant 2 : i32
      %dma_wait3A_303 = arith.constant 0 : i32
      %dma_wait3A_304 = tpu.memref_slice %arg7[%dma_wait3A_302, %dma_wait3A_303] : memref<4x128xi32, #tpu.memory_space<vmem>> -> memref<1x128xi32, #tpu.memory_space<vmem>>
      %dma_wait3A_305 = tpu.memref_squeeze %dma_wait3A_304 : memref<1x128xi32, #tpu.memory_space<vmem>> -> memref<128xi32, #tpu.memory_space<vmem>>
      %dma_wait3A_306 = tpu.memref_slice %arg3[%dma_wait3A_301, %mul3A_300] : memref<2x320000xi32, #tpu.memory_space<hbm>> -> memref<1x128xi32, #tpu.memory_space<hbm>>
      %dma_wait3A_307 = tpu.memref_squeeze %dma_wait3A_306 : memref<1x128xi32, #tpu.memory_space<hbm>> -> memref<128xi32, #tpu.memory_space<hbm>>
      %dma_wait3A_308 = arith.constant 0 : i32
      %dma_wait3A_309 = tpu.memref_slice %arg7[%dma_wait3A_302, %dma_wait3A_308] : memref<4x128xi32, #tpu.memory_space<vmem>> -> memref<1x128xi32, #tpu.memory_space<vmem>>
      %dma_wait3A_310 = tpu.memref_squeeze %dma_wait3A_309 : memref<1x128xi32, #tpu.memory_space<vmem>> -> memref<128xi32, #tpu.memory_space<vmem>>
      %dma_wait3A_311 = tpu.memref_slice %arg3[%dma_wait3A_301, %mul3A_300] : memref<2x320000xi32, #tpu.memory_space<hbm>> -> memref<1x128xi32, #tpu.memory_space<hbm>>
      %dma_wait3A_312 = tpu.memref_squeeze %dma_wait3A_311 : memref<1x128xi32, #tpu.memory_space<hbm>> -> memref<128xi32, #tpu.memory_space<hbm>>
      tpu.wait_dma2 semaphore(%arg15 : memref<!tpu.dma_semaphore, #tpu.memory_space<semaphore_mem>>) src(%dma_wait3A_312 : memref<128xi32, #tpu.memory_space<hbm>>) dst(%dma_wait3A_310 : memref<128xi32, #tpu.memory_space<vmem>>)
      %dma_start3A_313 = arith.constant 2 : i32
      %dma_start3A_314 = arith.constant 2 : i32
      %dma_start3A_315 = arith.constant 0 : i32
      %dma_start3A_316 = arith.constant 0 : i32
      %dma_start3A_317 = tpu.memref_slice %arg8[%dma_start3A_314, %dma_start3A_315, %dma_start3A_316] : memref<3x128x128xf32, #tpu.memory_space<vmem>> -> memref<1x128x128xf32, #tpu.memory_space<vmem>>
      %dma_start3A_318 = tpu.memref_squeeze %dma_start3A_317 : memref<1x128x128xf32, #tpu.memory_space<vmem>> -> memref<128x128xf32, #tpu.memory_space<vmem>>
      %dma_start3A_319 = arith.constant 0 : i32
      %dma_start3A_320 = tpu.memref_slice %arg6[%dma_start3A_313, %dma_start3A_319] : memref<4x128xi32, #tpu.memory_space<vmem>> -> memref<1x128xi32, #tpu.memory_space<vmem>>
      %dma_start3A_321 = tpu.memref_squeeze %dma_start3A_320 : memref<1x128xi32, #tpu.memory_space<vmem>> -> memref<128xi32, #tpu.memory_space<vmem>>
      %dma_start3A_322 = arith.constant 0 : i32
      %dma_start3A_323 = arith.constant 0 : i32
      %dma_start3A_324 = tpu.memref_slice %arg2[%dma_start3A_322, %dma_start3A_323] : memref<10000x128xf32, #tpu.memory_space<hbm>> -> memref<10000x128xf32, #tpu.memory_space<hbm>>
      tpu.enqueue_indirect_dma source(%dma_start3A_324 : memref<10000x128xf32, #tpu.memory_space<hbm>>) target(%dma_start3A_318 : memref<128x128xf32, #tpu.memory_space<vmem>>) offsets(%dma_start3A_321 : memref<128xi32, #tpu.memory_space<vmem>>) semaphore(%arg11 : memref<!tpu.dma_semaphore, #tpu.memory_space<semaphore_mem>>)
      %eq3A_325 = arith.constant 1 : i32
      %eq3A_326 = arith.cmpi eq, %add3A_271, %eq3A_325 : i32
      %convert_element_type3A_327 = arith.extui %eq3A_326 : i1 to i32
      %cond3A_328 = arith.constant 0 : i32
      %cond3A_329 = arith.cmpi ne, %convert_element_type3A_327, %cond3A_328 : i32
      scf.if %cond3A_329 {
        %dma_wait3A_335 = arith.constant 0 : i32
        %dma_wait3A_336 = tpu.memref_slice %arg5[%mul3A_1, %dma_wait3A_335] : memref<10000x128xf32, #tpu.memory_space<vmem_shared>> -> memref<400x128xf32, #tpu.memory_space<vmem_shared>>
        %dma_wait3A_337 = arith.constant 0 : i32
        %dma_wait3A_338 = tpu.memref_slice %arg2[%mul3A_1, %dma_wait3A_337] : memref<10000x128xf32, #tpu.memory_space<hbm>> -> memref<400x128xf32, #tpu.memory_space<hbm>>
        tpu.wait_dma2 semaphore(%arg17 : memref<!tpu.dma_semaphore, #tpu.memory_space<semaphore_mem>>) src(%dma_wait3A_338 : memref<400x128xf32, #tpu.memory_space<hbm>>) dst(%dma_wait3A_336 : memref<400x128xf32, #tpu.memory_space<vmem_shared>>)
        %convert_element_type3A_339 = arith.extui %lt3A_0 : i1 to i32
        %cond3A_340 = arith.constant 0 : i32
        %cond3A_341 = arith.cmpi ne, %convert_element_type3A_339, %cond3A_340 : i32
        scf.if %cond3A_341 {
          %dma_wait3A_343 = arith.constant 0 : i32
          %dma_wait3A_344 = tpu.memref_slice %arg5[%mul3A_4, %dma_wait3A_343] : memref<10000x128xf32, #tpu.memory_space<vmem_shared>> -> memref<400x128xf32, #tpu.memory_space<vmem_shared>>
          %dma_wait3A_345 = arith.constant 0 : i32
          %dma_wait3A_346 = tpu.memref_slice %arg2[%mul3A_4, %dma_wait3A_345] : memref<10000x128xf32, #tpu.memory_space<hbm>> -> memref<400x128xf32, #tpu.memory_space<hbm>>
          tpu.wait_dma2 semaphore(%arg18 : memref<!tpu.dma_semaphore, #tpu.memory_space<semaphore_mem>>) src(%dma_wait3A_346 : memref<400x128xf32, #tpu.memory_space<hbm>>) dst(%dma_wait3A_344 : memref<400x128xf32, #tpu.memory_space<vmem_shared>>)
        } else {
        }
        %barrier3A_342 = arith.constant 0 : index
        tpu.barrier barrier_id(%barrier3A_342)
      } else {
      }
      %ge3A_330 = arith.constant 1 : i32
      %ge3A_331 = arith.cmpi sge, %add3A_271, %ge3A_330 : i32
      %convert_element_type3A_332 = arith.extui %ge3A_331 : i1 to i32
      %cond3A_333 = arith.constant 0 : i32
      %cond3A_334 = arith.cmpi ne, %convert_element_type3A_332, %cond3A_333 : i32
      scf.if %cond3A_334 {
        %dma_wait3A_335 = arith.constant 1 : i32
        %dma_wait3A_336 = arith.constant 1 : i32
        %dma_wait3A_337 = arith.constant 0 : i32
        %dma_wait3A_338 = arith.constant 0 : i32
        %dma_wait3A_339 = tpu.memref_slice %arg8[%dma_wait3A_336, %dma_wait3A_337, %dma_wait3A_338] : memref<3x128x128xf32, #tpu.memory_space<vmem>> -> memref<1x128x128xf32, #tpu.memory_space<vmem>>
        %dma_wait3A_340 = tpu.memref_squeeze %dma_wait3A_339 : memref<1x128x128xf32, #tpu.memory_space<vmem>> -> memref<128x128xf32, #tpu.memory_space<vmem>>
        %dma_wait3A_341 = arith.constant 0 : i32
        %dma_wait3A_342 = tpu.memref_slice %arg6[%dma_wait3A_335, %dma_wait3A_341] : memref<4x128xi32, #tpu.memory_space<vmem>> -> memref<1x128xi32, #tpu.memory_space<vmem>>
        %dma_wait3A_343 = tpu.memref_squeeze %dma_wait3A_342 : memref<1x128xi32, #tpu.memory_space<vmem>> -> memref<128xi32, #tpu.memory_space<vmem>>
        %dma_wait3A_344 = arith.constant 0 : i32
        %dma_wait3A_345 = arith.constant 0 : i32
        %dma_wait3A_346 = tpu.memref_slice %arg2[%dma_wait3A_344, %dma_wait3A_345] : memref<10000x128xf32, #tpu.memory_space<hbm>> -> memref<10000x128xf32, #tpu.memory_space<hbm>>
        tpu.wait_indirect_dma semaphore(%arg10 : memref<!tpu.dma_semaphore, #tpu.memory_space<semaphore_mem>>) src(%dma_wait3A_346 : memref<10000x128xf32, #tpu.memory_space<hbm>>) dst(%dma_wait3A_340 : memref<128x128xf32, #tpu.memory_space<vmem>>)
        %dma_start3A_347 = arith.constant 1 : i32
        %dma_start3A_348 = arith.constant 1 : i32
        %dma_start3A_349 = arith.constant 0 : i32
        %dma_start3A_350 = arith.constant 0 : i32
        %dma_start3A_351 = tpu.memref_slice %arg8[%dma_start3A_347, %dma_start3A_349, %dma_start3A_350] : memref<3x128x128xf32, #tpu.memory_space<vmem>> -> memref<1x128x128xf32, #tpu.memory_space<vmem>>
        %dma_start3A_352 = tpu.memref_squeeze %dma_start3A_351 : memref<1x128x128xf32, #tpu.memory_space<vmem>> -> memref<128x128xf32, #tpu.memory_space<vmem>>
        %dma_start3A_353 = arith.constant 0 : i32
        %dma_start3A_354 = tpu.memref_slice %arg7[%dma_start3A_348, %dma_start3A_353] : memref<4x128xi32, #tpu.memory_space<vmem>> -> memref<1x128xi32, #tpu.memory_space<vmem>>
        %dma_start3A_355 = tpu.memref_squeeze %dma_start3A_354 : memref<1x128xi32, #tpu.memory_space<vmem>> -> memref<128xi32, #tpu.memory_space<vmem>>
        %dma_start3A_356 = arith.constant 0 : i32
        %dma_start3A_357 = arith.constant 0 : i32
        %dma_start3A_358 = tpu.memref_slice %arg5[%dma_start3A_356, %dma_start3A_357] : memref<10000x128xf32, #tpu.memory_space<vmem_shared>> -> memref<10000x128xf32, #tpu.memory_space<vmem_shared>>
        tpu.enqueue_indirect_dma source(%dma_start3A_352 : memref<128x128xf32, #tpu.memory_space<vmem>>) target(%dma_start3A_358 : memref<10000x128xf32, #tpu.memory_space<vmem_shared>>) offsets(%dma_start3A_355 : memref<128xi32, #tpu.memory_space<vmem>>) semaphore(%arg18 : memref<!tpu.dma_semaphore, #tpu.memory_space<semaphore_mem>>) {add = true}
      } else {
      }
    }
    %scan3A_53 = arith.constant 26 : i32
    %dma_wait3A = arith.constant 2 : i32
    %dma_wait3A_54 = arith.constant 2 : i32
    %dma_wait3A_55 = arith.constant 0 : i32
    %dma_wait3A_56 = arith.constant 0 : i32
    %dma_wait3A_57 = tpu.memref_slice %arg8[%dma_wait3A_54, %dma_wait3A_55, %dma_wait3A_56] : memref<3x128x128xf32, #tpu.memory_space<vmem>> -> memref<1x128x128xf32, #tpu.memory_space<vmem>>
    %dma_wait3A_58 = tpu.memref_squeeze %dma_wait3A_57 : memref<1x128x128xf32, #tpu.memory_space<vmem>> -> memref<128x128xf32, #tpu.memory_space<vmem>>
    %dma_wait3A_59 = arith.constant 0 : i32
    %dma_wait3A_60 = tpu.memref_slice %arg6[%dma_wait3A, %dma_wait3A_59] : memref<4x128xi32, #tpu.memory_space<vmem>> -> memref<1x128xi32, #tpu.memory_space<vmem>>
    %dma_wait3A_61 = tpu.memref_squeeze %dma_wait3A_60 : memref<1x128xi32, #tpu.memory_space<vmem>> -> memref<128xi32, #tpu.memory_space<vmem>>
    %dma_wait3A_62 = arith.constant 0 : i32
    %dma_wait3A_63 = arith.constant 0 : i32
    %dma_wait3A_64 = tpu.memref_slice %arg2[%dma_wait3A_62, %dma_wait3A_63] : memref<10000x128xf32, #tpu.memory_space<hbm>> -> memref<10000x128xf32, #tpu.memory_space<hbm>>
    tpu.wait_indirect_dma semaphore(%arg11 : memref<!tpu.dma_semaphore, #tpu.memory_space<semaphore_mem>>) src(%dma_wait3A_64 : memref<10000x128xf32, #tpu.memory_space<hbm>>) dst(%dma_wait3A_58 : memref<128x128xf32, #tpu.memory_space<vmem>>)
    %dma_start3A_65 = arith.constant 2 : i32
    %dma_start3A_66 = arith.constant 2 : i32
    %dma_start3A_67 = arith.constant 0 : i32
    %dma_start3A_68 = arith.constant 0 : i32
    %dma_start3A_69 = tpu.memref_slice %arg8[%dma_start3A_65, %dma_start3A_67, %dma_start3A_68] : memref<3x128x128xf32, #tpu.memory_space<vmem>> -> memref<1x128x128xf32, #tpu.memory_space<vmem>>
    %dma_start3A_70 = tpu.memref_squeeze %dma_start3A_69 : memref<1x128x128xf32, #tpu.memory_space<vmem>> -> memref<128x128xf32, #tpu.memory_space<vmem>>
    %dma_start3A_71 = arith.constant 0 : i32
    %dma_start3A_72 = tpu.memref_slice %arg7[%dma_start3A_66, %dma_start3A_71] : memref<4x128xi32, #tpu.memory_space<vmem>> -> memref<1x128xi32, #tpu.memory_space<vmem>>
    %dma_start3A_73 = tpu.memref_squeeze %dma_start3A_72 : memref<1x128xi32, #tpu.memory_space<vmem>> -> memref<128xi32, #tpu.memory_space<vmem>>
    %dma_start3A_74 = arith.constant 0 : i32
    %dma_start3A_75 = arith.constant 0 : i32
    %dma_start3A_76 = tpu.memref_slice %arg5[%dma_start3A_74, %dma_start3A_75] : memref<10000x128xf32, #tpu.memory_space<vmem_shared>> -> memref<10000x128xf32, #tpu.memory_space<vmem_shared>>
    tpu.enqueue_indirect_dma source(%dma_start3A_70 : memref<128x128xf32, #tpu.memory_space<vmem>>) target(%dma_start3A_76 : memref<10000x128xf32, #tpu.memory_space<vmem_shared>>) offsets(%dma_start3A_73 : memref<128xi32, #tpu.memory_space<vmem>>) semaphore(%arg19 : memref<!tpu.dma_semaphore, #tpu.memory_space<semaphore_mem>>) {add = true}
    %dma_wait3A_77 = arith.constant 0 : i32
    %dma_wait3A_78 = arith.constant 0 : i32
    %dma_wait3A_79 = arith.constant 0 : i32
    %dma_wait3A_80 = arith.constant 0 : i32
    %dma_wait3A_81 = tpu.memref_slice %arg8[%dma_wait3A_77, %dma_wait3A_79, %dma_wait3A_80] : memref<3x128x128xf32, #tpu.memory_space<vmem>> -> memref<1x128x128xf32, #tpu.memory_space<vmem>>
    %dma_wait3A_82 = tpu.memref_squeeze %dma_wait3A_81 : memref<1x128x128xf32, #tpu.memory_space<vmem>> -> memref<128x128xf32, #tpu.memory_space<vmem>>
    %dma_wait3A_83 = arith.constant 0 : i32
    %dma_wait3A_84 = tpu.memref_slice %arg7[%dma_wait3A_78, %dma_wait3A_83] : memref<4x128xi32, #tpu.memory_space<vmem>> -> memref<1x128xi32, #tpu.memory_space<vmem>>
    %dma_wait3A_85 = tpu.memref_squeeze %dma_wait3A_84 : memref<1x128xi32, #tpu.memory_space<vmem>> -> memref<128xi32, #tpu.memory_space<vmem>>
    %dma_wait3A_86 = arith.constant 0 : i32
    %dma_wait3A_87 = arith.constant 0 : i32
    %dma_wait3A_88 = tpu.memref_slice %arg5[%dma_wait3A_86, %dma_wait3A_87] : memref<10000x128xf32, #tpu.memory_space<vmem_shared>> -> memref<10000x128xf32, #tpu.memory_space<vmem_shared>>
    tpu.wait_indirect_dma semaphore(%arg17 : memref<!tpu.dma_semaphore, #tpu.memory_space<semaphore_mem>>) src(%dma_wait3A_82 : memref<128x128xf32, #tpu.memory_space<vmem>>) dst(%dma_wait3A_88 : memref<10000x128xf32, #tpu.memory_space<vmem_shared>>)
    %convert_element_type3A_89 = arith.extui %lt3A_13 : i1 to i32
    %cond3A_90 = arith.constant 0 : i32
    %cond3A_91 = arith.cmpi ne, %convert_element_type3A_89, %cond3A_90 : i32
    scf.if %cond3A_91 {
      %add3A_135 = arith.constant 2496 : i32
      %add3A_136 = arith.addi %add3A_11, %add3A_135 : i32
      %mul3A_137 = arith.constant 128 : i32
      %mul3A_138 = arith.muli %add3A_136, %mul3A_137 : i32
      %dma_wait3A_139 = arith.constant 0 : i32
      %dma_wait3A_140 = arith.constant 3 : i32
      %dma_wait3A_141 = arith.constant 0 : i32
      %dma_wait3A_142 = tpu.memref_slice %arg6[%dma_wait3A_140, %dma_wait3A_141] : memref<4x128xi32, #tpu.memory_space<vmem>> -> memref<1x128xi32, #tpu.memory_space<vmem>>
      %dma_wait3A_143 = tpu.memref_squeeze %dma_wait3A_142 : memref<1x128xi32, #tpu.memory_space<vmem>> -> memref<128xi32, #tpu.memory_space<vmem>>
      %dma_wait3A_144 = tpu.memref_slice %arg3[%dma_wait3A_139, %mul3A_138] : memref<2x320000xi32, #tpu.memory_space<hbm>> -> memref<1x128xi32, #tpu.memory_space<hbm>>
      %dma_wait3A_145 = tpu.memref_squeeze %dma_wait3A_144 : memref<1x128xi32, #tpu.memory_space<hbm>> -> memref<128xi32, #tpu.memory_space<hbm>>
      %dma_wait3A_146 = arith.constant 0 : i32
      %dma_wait3A_147 = tpu.memref_slice %arg6[%dma_wait3A_140, %dma_wait3A_146] : memref<4x128xi32, #tpu.memory_space<vmem>> -> memref<1x128xi32, #tpu.memory_space<vmem>>
      %dma_wait3A_148 = tpu.memref_squeeze %dma_wait3A_147 : memref<1x128xi32, #tpu.memory_space<vmem>> -> memref<128xi32, #tpu.memory_space<vmem>>
      %dma_wait3A_149 = tpu.memref_slice %arg3[%dma_wait3A_139, %mul3A_138] : memref<2x320000xi32, #tpu.memory_space<hbm>> -> memref<1x128xi32, #tpu.memory_space<hbm>>
      %dma_wait3A_150 = tpu.memref_squeeze %dma_wait3A_149 : memref<1x128xi32, #tpu.memory_space<hbm>> -> memref<128xi32, #tpu.memory_space<hbm>>
      tpu.wait_dma2 semaphore(%arg16 : memref<!tpu.dma_semaphore, #tpu.memory_space<semaphore_mem>>) src(%dma_wait3A_150 : memref<128xi32, #tpu.memory_space<hbm>>) dst(%dma_wait3A_148 : memref<128xi32, #tpu.memory_space<vmem>>)
      %add3A_151 = arith.constant 2496 : i32
      %add3A_152 = arith.addi %add3A_11, %add3A_151 : i32
      %mul3A_153 = arith.constant 128 : i32
      %mul3A_154 = arith.muli %add3A_152, %mul3A_153 : i32
      %dma_wait3A_155 = arith.constant 1 : i32
      %dma_wait3A_156 = arith.constant 3 : i32
      %dma_wait3A_157 = arith.constant 0 : i32
      %dma_wait3A_158 = tpu.memref_slice %arg7[%dma_wait3A_156, %dma_wait3A_157] : memref<4x128xi32, #tpu.memory_space<vmem>> -> memref<1x128xi32, #tpu.memory_space<vmem>>
      %dma_wait3A_159 = tpu.memref_squeeze %dma_wait3A_158 : memref<1x128xi32, #tpu.memory_space<vmem>> -> memref<128xi32, #tpu.memory_space<vmem>>
      %dma_wait3A_160 = tpu.memref_slice %arg3[%dma_wait3A_155, %mul3A_154] : memref<2x320000xi32, #tpu.memory_space<hbm>> -> memref<1x128xi32, #tpu.memory_space<hbm>>
      %dma_wait3A_161 = tpu.memref_squeeze %dma_wait3A_160 : memref<1x128xi32, #tpu.memory_space<hbm>> -> memref<128xi32, #tpu.memory_space<hbm>>
      %dma_wait3A_162 = arith.constant 0 : i32
      %dma_wait3A_163 = tpu.memref_slice %arg7[%dma_wait3A_156, %dma_wait3A_162] : memref<4x128xi32, #tpu.memory_space<vmem>> -> memref<1x128xi32, #tpu.memory_space<vmem>>
      %dma_wait3A_164 = tpu.memref_squeeze %dma_wait3A_163 : memref<1x128xi32, #tpu.memory_space<vmem>> -> memref<128xi32, #tpu.memory_space<vmem>>
      %dma_wait3A_165 = tpu.memref_slice %arg3[%dma_wait3A_155, %mul3A_154] : memref<2x320000xi32, #tpu.memory_space<hbm>> -> memref<1x128xi32, #tpu.memory_space<hbm>>
      %dma_wait3A_166 = tpu.memref_squeeze %dma_wait3A_165 : memref<1x128xi32, #tpu.memory_space<hbm>> -> memref<128xi32, #tpu.memory_space<hbm>>
      tpu.wait_dma2 semaphore(%arg16 : memref<!tpu.dma_semaphore, #tpu.memory_space<semaphore_mem>>) src(%dma_wait3A_166 : memref<128xi32, #tpu.memory_space<hbm>>) dst(%dma_wait3A_164 : memref<128xi32, #tpu.memory_space<vmem>>)
      %dma_start3A_167 = arith.constant 3 : i32
      %dma_start3A_168 = arith.constant 0 : i32
      %dma_start3A_169 = arith.constant 0 : i32
      %dma_start3A_170 = arith.constant 0 : i32
      %dma_start3A_171 = tpu.memref_slice %arg8[%dma_start3A_168, %dma_start3A_169, %dma_start3A_170] : memref<3x128x128xf32, #tpu.memory_space<vmem>> -> memref<1x128x128xf32, #tpu.memory_space<vmem>>
      %dma_start3A_172 = tpu.memref_squeeze %dma_start3A_171 : memref<1x128x128xf32, #tpu.memory_space<vmem>> -> memref<128x128xf32, #tpu.memory_space<vmem>>
      %dma_start3A_173 = arith.constant 0 : i32
      %dma_start3A_174 = tpu.memref_slice %arg6[%dma_start3A_167, %dma_start3A_173] : memref<4x128xi32, #tpu.memory_space<vmem>> -> memref<1x128xi32, #tpu.memory_space<vmem>>
      %dma_start3A_175 = tpu.memref_squeeze %dma_start3A_174 : memref<1x128xi32, #tpu.memory_space<vmem>> -> memref<128xi32, #tpu.memory_space<vmem>>
      %dma_start3A_176 = arith.constant 0 : i32
      %dma_start3A_177 = arith.constant 0 : i32
      %dma_start3A_178 = tpu.memref_slice %arg2[%dma_start3A_176, %dma_start3A_177] : memref<10000x128xf32, #tpu.memory_space<hbm>> -> memref<10000x128xf32, #tpu.memory_space<hbm>>
      tpu.enqueue_indirect_dma source(%dma_start3A_178 : memref<10000x128xf32, #tpu.memory_space<hbm>>) target(%dma_start3A_172 : memref<128x128xf32, #tpu.memory_space<vmem>>) offsets(%dma_start3A_175 : memref<128xi32, #tpu.memory_space<vmem>>) semaphore(%arg12 : memref<!tpu.dma_semaphore, #tpu.memory_space<semaphore_mem>>)
    } else {
    }
    %dma_wait3A_92 = arith.constant 1 : i32
    %dma_wait3A_93 = arith.constant 1 : i32
    %dma_wait3A_94 = arith.constant 0 : i32
    %dma_wait3A_95 = arith.constant 0 : i32
    %dma_wait3A_96 = tpu.memref_slice %arg8[%dma_wait3A_92, %dma_wait3A_94, %dma_wait3A_95] : memref<3x128x128xf32, #tpu.memory_space<vmem>> -> memref<1x128x128xf32, #tpu.memory_space<vmem>>
    %dma_wait3A_97 = tpu.memref_squeeze %dma_wait3A_96 : memref<1x128x128xf32, #tpu.memory_space<vmem>> -> memref<128x128xf32, #tpu.memory_space<vmem>>
    %dma_wait3A_98 = arith.constant 0 : i32
    %dma_wait3A_99 = tpu.memref_slice %arg7[%dma_wait3A_93, %dma_wait3A_98] : memref<4x128xi32, #tpu.memory_space<vmem>> -> memref<1x128xi32, #tpu.memory_space<vmem>>
    %dma_wait3A_100 = tpu.memref_squeeze %dma_wait3A_99 : memref<1x128xi32, #tpu.memory_space<vmem>> -> memref<128xi32, #tpu.memory_space<vmem>>
    %dma_wait3A_101 = arith.constant 0 : i32
    %dma_wait3A_102 = arith.constant 0 : i32
    %dma_wait3A_103 = tpu.memref_slice %arg5[%dma_wait3A_101, %dma_wait3A_102] : memref<10000x128xf32, #tpu.memory_space<vmem_shared>> -> memref<10000x128xf32, #tpu.memory_space<vmem_shared>>
    tpu.wait_indirect_dma semaphore(%arg18 : memref<!tpu.dma_semaphore, #tpu.memory_space<semaphore_mem>>) src(%dma_wait3A_97 : memref<128x128xf32, #tpu.memory_space<vmem>>) dst(%dma_wait3A_103 : memref<10000x128xf32, #tpu.memory_space<vmem_shared>>)
    %dma_wait3A_104 = arith.constant 2 : i32
    %dma_wait3A_105 = arith.constant 2 : i32
    %dma_wait3A_106 = arith.constant 0 : i32
    %dma_wait3A_107 = arith.constant 0 : i32
    %dma_wait3A_108 = tpu.memref_slice %arg8[%dma_wait3A_104, %dma_wait3A_106, %dma_wait3A_107] : memref<3x128x128xf32, #tpu.memory_space<vmem>> -> memref<1x128x128xf32, #tpu.memory_space<vmem>>
    %dma_wait3A_109 = tpu.memref_squeeze %dma_wait3A_108 : memref<1x128x128xf32, #tpu.memory_space<vmem>> -> memref<128x128xf32, #tpu.memory_space<vmem>>
    %dma_wait3A_110 = arith.constant 0 : i32
    %dma_wait3A_111 = tpu.memref_slice %arg7[%dma_wait3A_105, %dma_wait3A_110] : memref<4x128xi32, #tpu.memory_space<vmem>> -> memref<1x128xi32, #tpu.memory_space<vmem>>
    %dma_wait3A_112 = tpu.memref_squeeze %dma_wait3A_111 : memref<1x128xi32, #tpu.memory_space<vmem>> -> memref<128xi32, #tpu.memory_space<vmem>>
    %dma_wait3A_113 = arith.constant 0 : i32
    %dma_wait3A_114 = arith.constant 0 : i32
    %dma_wait3A_115 = tpu.memref_slice %arg5[%dma_wait3A_113, %dma_wait3A_114] : memref<10000x128xf32, #tpu.memory_space<vmem_shared>> -> memref<10000x128xf32, #tpu.memory_space<vmem_shared>>
    tpu.wait_indirect_dma semaphore(%arg19 : memref<!tpu.dma_semaphore, #tpu.memory_space<semaphore_mem>>) src(%dma_wait3A_109 : memref<128x128xf32, #tpu.memory_space<vmem>>) dst(%dma_wait3A_115 : memref<10000x128xf32, #tpu.memory_space<vmem_shared>>)
    %convert_element_type3A_116 = arith.extui %lt3A_13 : i1 to i32
    %cond3A_117 = arith.constant 0 : i32
    %cond3A_118 = arith.cmpi ne, %convert_element_type3A_116, %cond3A_117 : i32
    scf.if %cond3A_118 {
      %dma_wait3A_135 = arith.constant 3 : i32
      %dma_wait3A_136 = arith.constant 0 : i32
      %dma_wait3A_137 = arith.constant 0 : i32
      %dma_wait3A_138 = arith.constant 0 : i32
      %dma_wait3A_139 = tpu.memref_slice %arg8[%dma_wait3A_136, %dma_wait3A_137, %dma_wait3A_138] : memref<3x128x128xf32, #tpu.memory_space<vmem>> -> memref<1x128x128xf32, #tpu.memory_space<vmem>>
      %dma_wait3A_140 = tpu.memref_squeeze %dma_wait3A_139 : memref<1x128x128xf32, #tpu.memory_space<vmem>> -> memref<128x128xf32, #tpu.memory_space<vmem>>
      %dma_wait3A_141 = arith.constant 0 : i32
      %dma_wait3A_142 = tpu.memref_slice %arg6[%dma_wait3A_135, %dma_wait3A_141] : memref<4x128xi32, #tpu.memory_space<vmem>> -> memref<1x128xi32, #tpu.memory_space<vmem>>
      %dma_wait3A_143 = tpu.memref_squeeze %dma_wait3A_142 : memref<1x128xi32, #tpu.memory_space<vmem>> -> memref<128xi32, #tpu.memory_space<vmem>>
      %dma_wait3A_144 = arith.constant 0 : i32
      %dma_wait3A_145 = arith.constant 0 : i32
      %dma_wait3A_146 = tpu.memref_slice %arg2[%dma_wait3A_144, %dma_wait3A_145] : memref<10000x128xf32, #tpu.memory_space<hbm>> -> memref<10000x128xf32, #tpu.memory_space<hbm>>
      tpu.wait_indirect_dma semaphore(%arg12 : memref<!tpu.dma_semaphore, #tpu.memory_space<semaphore_mem>>) src(%dma_wait3A_146 : memref<10000x128xf32, #tpu.memory_space<hbm>>) dst(%dma_wait3A_140 : memref<128x128xf32, #tpu.memory_space<vmem>>)
      %dma_start3A_147 = arith.constant 0 : i32
      %dma_start3A_148 = arith.constant 3 : i32
      %dma_start3A_149 = arith.constant 0 : i32
      %dma_start3A_150 = arith.constant 0 : i32
      %dma_start3A_151 = tpu.memref_slice %arg8[%dma_start3A_147, %dma_start3A_149, %dma_start3A_150] : memref<3x128x128xf32, #tpu.memory_space<vmem>> -> memref<1x128x128xf32, #tpu.memory_space<vmem>>
      %dma_start3A_152 = tpu.memref_squeeze %dma_start3A_151 : memref<1x128x128xf32, #tpu.memory_space<vmem>> -> memref<128x128xf32, #tpu.memory_space<vmem>>
      %dma_start3A_153 = arith.constant 0 : i32
      %dma_start3A_154 = tpu.memref_slice %arg7[%dma_start3A_148, %dma_start3A_153] : memref<4x128xi32, #tpu.memory_space<vmem>> -> memref<1x128xi32, #tpu.memory_space<vmem>>
      %dma_start3A_155 = tpu.memref_squeeze %dma_start3A_154 : memref<1x128xi32, #tpu.memory_space<vmem>> -> memref<128xi32, #tpu.memory_space<vmem>>
      %dma_start3A_156 = arith.constant 0 : i32
      %dma_start3A_157 = arith.constant 0 : i32
      %dma_start3A_158 = tpu.memref_slice %arg5[%dma_start3A_156, %dma_start3A_157] : memref<10000x128xf32, #tpu.memory_space<vmem_shared>> -> memref<10000x128xf32, #tpu.memory_space<vmem_shared>>
      tpu.enqueue_indirect_dma source(%dma_start3A_152 : memref<128x128xf32, #tpu.memory_space<vmem>>) target(%dma_start3A_158 : memref<10000x128xf32, #tpu.memory_space<vmem_shared>>) offsets(%dma_start3A_155 : memref<128xi32, #tpu.memory_space<vmem>>) semaphore(%arg20 : memref<!tpu.dma_semaphore, #tpu.memory_space<semaphore_mem>>) {add = true}
      %dma_wait3A_159 = arith.constant 0 : i32
      %dma_wait3A_160 = arith.constant 3 : i32
      %dma_wait3A_161 = arith.constant 0 : i32
      %dma_wait3A_162 = arith.constant 0 : i32
      %dma_wait3A_163 = tpu.memref_slice %arg8[%dma_wait3A_159, %dma_wait3A_161, %dma_wait3A_162] : memref<3x128x128xf32, #tpu.memory_space<vmem>> -> memref<1x128x128xf32, #tpu.memory_space<vmem>>
      %dma_wait3A_164 = tpu.memref_squeeze %dma_wait3A_163 : memref<1x128x128xf32, #tpu.memory_space<vmem>> -> memref<128x128xf32, #tpu.memory_space<vmem>>
      %dma_wait3A_165 = arith.constant 0 : i32
      %dma_wait3A_166 = tpu.memref_slice %arg7[%dma_wait3A_160, %dma_wait3A_165] : memref<4x128xi32, #tpu.memory_space<vmem>> -> memref<1x128xi32, #tpu.memory_space<vmem>>
      %dma_wait3A_167 = tpu.memref_squeeze %dma_wait3A_166 : memref<1x128xi32, #tpu.memory_space<vmem>> -> memref<128xi32, #tpu.memory_space<vmem>>
      %dma_wait3A_168 = arith.constant 0 : i32
      %dma_wait3A_169 = arith.constant 0 : i32
      %dma_wait3A_170 = tpu.memref_slice %arg5[%dma_wait3A_168, %dma_wait3A_169] : memref<10000x128xf32, #tpu.memory_space<vmem_shared>> -> memref<10000x128xf32, #tpu.memory_space<vmem_shared>>
      tpu.wait_indirect_dma semaphore(%arg20 : memref<!tpu.dma_semaphore, #tpu.memory_space<semaphore_mem>>) src(%dma_wait3A_164 : memref<128x128xf32, #tpu.memory_space<vmem>>) dst(%dma_wait3A_170 : memref<10000x128xf32, #tpu.memory_space<vmem_shared>>)
    } else {
    }
    %barrier3A = arith.constant 0 : index
    tpu.barrier barrier_id(%barrier3A)
    %dma_start3A_119 = arith.constant 0 : i32
    %dma_start3A_120 = tpu.memref_slice %arg4[%arg0, %mul3A_1, %dma_start3A_119] : memref<2x10000x128xf32, #tpu.memory_space<hbm>> -> memref<1x400x128xf32, #tpu.memory_space<hbm>>
    %dma_start3A_121 = tpu.memref_squeeze %dma_start3A_120 : memref<1x400x128xf32, #tpu.memory_space<hbm>> -> memref<400x128xf32, #tpu.memory_space<hbm>>
    %dma_start3A_122 = arith.constant 0 : i32
    %dma_start3A_123 = tpu.memref_slice %arg5[%mul3A_1, %dma_start3A_122] : memref<10000x128xf32, #tpu.memory_space<vmem_shared>> -> memref<400x128xf32, #tpu.memory_space<vmem_shared>>
    tpu.enqueue_dma source(%dma_start3A_123 : memref<400x128xf32, #tpu.memory_space<vmem_shared>>) target(%dma_start3A_121 : memref<400x128xf32, #tpu.memory_space<hbm>>) target_semaphore(%arg13 : memref<!tpu.dma_semaphore, #tpu.memory_space<semaphore_mem>>)
    %convert_element_type3A_124 = arith.extui %lt3A_0 : i1 to i32
    %cond3A_125 = arith.constant 0 : i32
    %cond3A_126 = arith.cmpi ne, %convert_element_type3A_124, %cond3A_125 : i32
    scf.if %cond3A_126 {
      %dma_start3A_135 = arith.constant 0 : i32
      %dma_start3A_136 = tpu.memref_slice %arg4[%arg0, %mul3A_4, %dma_start3A_135] : memref<2x10000x128xf32, #tpu.memory_space<hbm>> -> memref<1x400x128xf32, #tpu.memory_space<hbm>>
      %dma_start3A_137 = tpu.memref_squeeze %dma_start3A_136 : memref<1x400x128xf32, #tpu.memory_space<hbm>> -> memref<400x128xf32, #tpu.memory_space<hbm>>
      %dma_start3A_138 = arith.constant 0 : i32
      %dma_start3A_139 = tpu.memref_slice %arg5[%mul3A_4, %dma_start3A_138] : memref<10000x128xf32, #tpu.memory_space<vmem_shared>> -> memref<400x128xf32, #tpu.memory_space<vmem_shared>>
      tpu.enqueue_dma source(%dma_start3A_139 : memref<400x128xf32, #tpu.memory_space<vmem_shared>>) target(%dma_start3A_137 : memref<400x128xf32, #tpu.memory_space<hbm>>) target_semaphore(%arg14 : memref<!tpu.dma_semaphore, #tpu.memory_space<semaphore_mem>>)
    } else {
    }
    %dma_wait3A_127 = arith.constant 0 : i32
    %dma_wait3A_128 = tpu.memref_slice %arg4[%arg0, %mul3A_1, %dma_wait3A_127] : memref<2x10000x128xf32, #tpu.memory_space<hbm>> -> memref<1x400x128xf32, #tpu.memory_space<hbm>>
    %dma_wait3A_129 = tpu.memref_squeeze %dma_wait3A_128 : memref<1x400x128xf32, #tpu.memory_space<hbm>> -> memref<400x128xf32, #tpu.memory_space<hbm>>
    %dma_wait3A_130 = arith.constant 0 : i32
    %dma_wait3A_131 = tpu.memref_slice %arg5[%mul3A_1, %dma_wait3A_130] : memref<10000x128xf32, #tpu.memory_space<vmem_shared>> -> memref<400x128xf32, #tpu.memory_space<vmem_shared>>
    tpu.wait_dma2 semaphore(%arg13 : memref<!tpu.dma_semaphore, #tpu.memory_space<semaphore_mem>>) src(%dma_wait3A_131 : memref<400x128xf32, #tpu.memory_space<vmem_shared>>) dst(%dma_wait3A_129 : memref<400x128xf32, #tpu.memory_space<hbm>>)
    %convert_element_type3A_132 = arith.extui %lt3A_0 : i1 to i32
    %cond3A_133 = arith.constant 0 : i32
    %cond3A_134 = arith.cmpi ne, %convert_element_type3A_132, %cond3A_133 : i32
    scf.if %cond3A_134 {
      %dma_wait3A_135 = arith.constant 0 : i32
      %dma_wait3A_136 = tpu.memref_slice %arg4[%arg0, %mul3A_4, %dma_wait3A_135] : memref<2x10000x128xf32, #tpu.memory_space<hbm>> -> memref<1x400x128xf32, #tpu.memory_space<hbm>>
      %dma_wait3A_137 = tpu.memref_squeeze %dma_wait3A_136 : memref<1x400x128xf32, #tpu.memory_space<hbm>> -> memref<400x128xf32, #tpu.memory_space<hbm>>
      %dma_wait3A_138 = arith.constant 0 : i32
      %dma_wait3A_139 = tpu.memref_slice %arg5[%mul3A_4, %dma_wait3A_138] : memref<10000x128xf32, #tpu.memory_space<vmem_shared>> -> memref<400x128xf32, #tpu.memory_space<vmem_shared>>
      tpu.wait_dma2 semaphore(%arg14 : memref<!tpu.dma_semaphore, #tpu.memory_space<semaphore_mem>>) src(%dma_wait3A_139 : memref<400x128xf32, #tpu.memory_space<vmem_shared>>) dst(%dma_wait3A_137 : memref<400x128xf32, #tpu.memory_space<hbm>>)
    } else {
    }
    return
  }
}

module attributes {stable_mosaic.version = 14 : i64} {
  func.func @_matmul_body(%arg0: i32, %arg1: memref<2000x128xf32, #tpu.memory_space<vmem>>, %arg2: memref<128x128xf32, #tpu.memory_space<vmem>>, %arg3: memref<1x128xf32, #tpu.memory_space<vmem>>, %arg4: memref<2000x128xf32, #tpu.memory_space<vmem>>) attributes {dimension_semantics = [#tpu.dimension_semantics<arbitrary>], iteration_bounds = array<i64: 5>, scalar_prefetch = 0 : i64, scratch_operands = 0 : i64, tpu.core_type = #tpu.core_type<tc>, window_params = [{transform_indices = @transform_0, window_bounds = array<i64: 2000, 128>}, {pipeline_mode = #tpu.pipeline_mode<synchronous>, transform_indices = @transform_1, window_bounds = array<i64: 128, 128>}, {pipeline_mode = #tpu.pipeline_mode<synchronous>, transform_indices = @transform_2, window_bounds = array<i64: 1, 128>}, {transform_indices = @transform_3, window_bounds = array<i64: 2000, 128>}]} {
    %get3A = arith.constant 0 : index
    %get3A_0 = arith.constant 0 : index
    %get3A_1 = vector.load %arg1[%get3A, %get3A_0] : memref<2000x128xf32, #tpu.memory_space<vmem>>, vector<2000x128xf32>
    %get3A_2 = arith.constant 0 : index
    %get3A_3 = arith.constant 0 : index
    %get3A_4 = vector.load %arg2[%get3A_2, %get3A_3] : memref<128x128xf32, #tpu.memory_space<vmem>>, vector<128x128xf32>
    %dot_general3A = arith.constant dense<0.000000e+00> : vector<2000x128xf32>
    %dot_general3A_5 = tpu.matmul %get3A_1, %get3A_4, %dot_general3A {dimension_numbers = #tpu.dot_dimension_numbers<[1], [1], [0], [0], [0, 0, 1, 0], [], []>, transpose_lhs_hint = false} : vector<2000x128xf32>, vector<128x128xf32>, vector<2000x128xf32> -> vector<2000x128xf32>
    %get3A_6 = arith.constant 0 : index
    %get3A_7 = arith.constant 0 : index
    %get3A_8 = vector.load %arg3[%get3A_6, %get3A_7] : memref<1x128xf32, #tpu.memory_space<vmem>>, vector<1x128xf32>
    %add3A = vector.broadcast %get3A_8 : vector<1x128xf32> to vector<2000x128xf32>
    %add3A_9 = arith.addf %dot_general3A_5, %add3A : vector<2000x128xf32>
    %swap3A = arith.constant 0 : index
    %swap3A_10 = arith.constant 0 : index
    %swap3A_11 = vector.load %arg4[%swap3A, %swap3A_10] : memref<2000x128xf32, #tpu.memory_space<vmem>>, vector<2000x128xf32>
    tpu.vector_store %arg4[%swap3A, %swap3A_10], %add3A_9 {strides = array<i32>} : memref<2000x128xf32, #tpu.memory_space<vmem>>, vector<2000x128xf32>,
    return
  }
  func.func @transform_0(%arg0: i32) -> (i32, i32) {
    %c0_i32 = arith.constant 0 : i32
    %c0_i32_0 = arith.constant 0 : i32
    return %arg0, %c0_i32 : i32, i32
  }
  func.func @transform_1(%arg0: i32) -> (i32, i32) {
    %c0_i32 = arith.constant 0 : i32
    %c0_i32_0 = arith.constant 0 : i32
    %c0_i32_1 = arith.constant 0 : i32
    return %c0_i32, %c0_i32_0 : i32, i32
  }
  func.func @transform_2(%arg0: i32) -> (i32, i32) {
    %c0_i32 = arith.constant 0 : i32
    %c0_i32_0 = arith.constant 0 : i32
    %c0_i32_1 = arith.constant 0 : i32
    return %c0_i32, %c0_i32_0 : i32, i32
  }
  func.func @transform_3(%arg0: i32) -> (i32, i32) {
    %c0_i32 = arith.constant 0 : i32
    %c0_i32_0 = arith.constant 0 : i32
    return %arg0, %c0_i32 : i32, i32
  }
}

module attributes {stable_mosaic.version = 14 : i64} {
  func.func @_combine_body(%arg0: i32, %arg1: memref<2x2000x128xf32, #tpu.memory_space<vmem>>, %arg2: memref<2000x128xf32, #tpu.memory_space<vmem>>, %arg3: memref<2000x128xf32, #tpu.memory_space<vmem>>) attributes {dimension_semantics = [#tpu.dimension_semantics<arbitrary>], iteration_bounds = array<i64: 5>, scalar_prefetch = 0 : i64, scratch_operands = 0 : i64, tpu.core_type = #tpu.core_type<tc>, window_params = [{transform_indices = @transform_0, window_bounds = array<i64: 2, 2000, 128>}, {transform_indices = @transform_1, window_bounds = array<i64: 2000, 128>}, {transform_indices = @transform_2, window_bounds = array<i64: 2000, 128>}]} {
    %get3A = arith.constant 0 : index
    %get3A_0 = arith.constant 0 : index
    %get3A_1 = arith.constant 0 : index
    %get3A_2 = vector.load %arg1[%get3A, %get3A_0, %get3A_1] : memref<2x2000x128xf32, #tpu.memory_space<vmem>>, vector<1x2000x128xf32>
    %get3A_3 = vector.shape_cast %get3A_2 : vector<1x2000x128xf32> to vector<2000x128xf32>
    %get3A_4 = arith.constant 1 : index
    %get3A_5 = arith.constant 0 : index
    %get3A_6 = arith.constant 0 : index
    %get3A_7 = vector.load %arg1[%get3A_4, %get3A_5, %get3A_6] : memref<2x2000x128xf32, #tpu.memory_space<vmem>>, vector<1x2000x128xf32>
    %get3A_8 = vector.shape_cast %get3A_7 : vector<1x2000x128xf32> to vector<2000x128xf32>
    %add3A = arith.addf %get3A_3, %get3A_8 : vector<2000x128xf32>
    %get3A_9 = arith.constant 0 : index
    %get3A_10 = arith.constant 0 : index
    %get3A_11 = vector.load %arg2[%get3A_9, %get3A_10] : memref<2000x128xf32, #tpu.memory_space<vmem>>, vector<2000x128xf32>
    %sub3A = arith.subf %add3A, %get3A_11 : vector<2000x128xf32>
    %swap3A = arith.constant 0 : index
    %swap3A_12 = arith.constant 0 : index
    %swap3A_13 = vector.load %arg3[%swap3A, %swap3A_12] : memref<2000x128xf32, #tpu.memory_space<vmem>>, vector<2000x128xf32>
    tpu.vector_store %arg3[%swap3A, %swap3A_12], %sub3A {strides = array<i32>} : memref<2000x128xf32, #tpu.memory_space<vmem>>, vector<2000x128xf32>,
    return
  }
  func.func @transform_0(%arg0: i32) -> (i32, i32, i32) {
    %c0_i32 = arith.constant 0 : i32
    %c0_i32_0 = arith.constant 0 : i32
    %c0_i32_1 = arith.constant 0 : i32
    return %c0_i32, %arg0, %c0_i32_0 : i32, i32, i32
  }
  func.func @transform_1(%arg0: i32) -> (i32, i32) {
    %c0_i32 = arith.constant 0 : i32
    %c0_i32_0 = arith.constant 0 : i32
    return %arg0, %c0_i32 : i32, i32
  }
  func.func @transform_2(%arg0: i32) -> (i32, i32) {
    %c0_i32 = arith.constant 0 : i32
    %c0_i32_0 = arith.constant 0 : i32
    return %arg0, %c0_i32 : i32, i32
  }
}

</mosaic_0001>

<sc_bundles>
// kernel: kernel.5.cloned.1.call-start
scs
__scs_entry_jumppad:
0x0: {  	(pc) =	sbr.rel $0x88, $3  }
0x1: {  	(tag) =	ssettag $0x0;
	lr =	simm.s32 $0x1  }
0x2: {  	[smem:$0x3F9D] =	sst lr;
	_ =	strace $0xD0000000  }
0x3: {  	_ = 	snop  }
0x4: {  	_ = 	snop  }
0x5: {  	_ = 	snop  }
0x6: {  	_ = 	snop  }
0x7: {  	_ = 	snop  }
__scs_overlays_trampoline_lowered:
0x8: {  	[smem:$0x3FAC] =	sst s0  }
0x9: {  	[smem:$0x3FAD] =	sst s1  }
0xa: {  	[smem:$0x3FAE] =	sst s2  }
0xb: {  	[smem:$0x3FAF] =	sst s3  }
0xc: {  	[smem:$0x3FB0] =	sst s4  }
0xd: {  	[smem:$0x3FB1] =	sst s5  }
0xe: {  	[smem:$0x3FB2] =	sst s6  }
0xf: {  	[smem:$0x3FB3] =	sst s7  }
0x10: {  	[smem:$0x3FB4] =	sst s8  }
0x11: {  	[smem:$0x3FB5] =	sst s9;
	s0 =	simm.s32 @!p0 $0x0  }
0x12: {  	s1 =	sld [smem:$0x3F9B];
	s0 =	simm.s32 @p0 $0x1  }
0x13: {  	[smem:$0x3FB6] =	sst s0;
	s0 =	simm.s32 @!p1 $0x0  }
0x14: {  	s2 =	sld [smem:$0x3F9A];
	s0 =	simm.s32 @p1 $0x1  }
0x15: {  	[smem:$0x3FB7] =	sst s0;
	s0 =	simm.s32 @!p2 $0x0  }
0x16: {  	s3 =	sld [smem:$0x3FDB];
	s0 =	simm.s32 @p2 $0x1  }
0x17: {  	s4 =	simm.s32 $0x1BF5;
	[smem:$0x3FB9] =	sst s0  }
0x18: {  	s0 =	sld [smem:$0x3F9C];
	_ =	swait.ge [sflag:s4], $0x0  }
0x19: {  	s7 =	sld [smem:$0x3F9D]  }
0x1a: {  	s8 =	sadd.s32 $0xFFFFE003, lr  }
0x1b: {  	s9 =	sadd.s32 $0xFFFFFEF7, lr;
	s5 =	simm.s32 $0xFFFFFFFF;
	p2 =	slt.u32 s8, $0xFFFFF086  }
0x1c: {  	p1 =	slt.u32 s9, $0xF7A;
	s5 =	simm.s32 @!p2 $0x0  }
0x1d: {  	s5 =	simm.s32 @p1 $0x1;
	p0 =	seq.s32 s7, s2  }
0x1e: {  	s7 =	smul.u32 @!p0 $0xF7A, s2;
	p2 =	seq.s32 @!p0 s5, $0x0  }
0x1f: {  	s9 =	smul.u32 $0xF7A, s1;
	s8 =	simm.s32 @!p0 $0x1BF5;
	p2 =	por !p2, p0  }
0x20: {  	[sflag:s8] =	ssyncset.s32 @!p0 $0xFFFFF086;
	s6 =	sadd.s32 @!p0 s3, s7;
	s7 =	simm.s32 @!p0 $0x108  }
0x21: {  	s3 =	sadd.s32 s3, s9;
	s6 =	sadd.s32 @!p0 $0x88, s6;
	s7 =	simm.s32 @p2 $0x1082  }
0x22: {  	[simem:s7], [sflag:s8] =	dma.local @!p0 [hbm:s6], $0xF7A  }
0x23: {  	s9 =	sor.u32 $0xD0000000, s2;
	s6 =	simm.s32 $0x108;
	_ =	swait.ge @!p0 [sflag:s8], $0x0  }
0x24: {  	s3 =	sadd.s32 $0x88, s3;
	s6 =	simm.s32 @!p1 $0x1082;
	[sflag:s4] =	ssyncset.s32 $0xFFFFF086  }
0x25: {  	[simem:s6], [sflag:s4] =	dma.local [hbm:s3], $0xF7A  }
0x26: {  	[smem:$0x3F9D] =	sst s1;
	(tag) =	ssettag s2;
	_ =	strace s9  }
0x27: {  	s1 =	sld [smem:$0x3FAD]  }
0x28: {  	s2 =	sld [smem:$0x3FAE]  }
0x29: {  	s4 =	sld [smem:$0x3FB0]  }
0x2a: {  	p0 =	seq.s32 s5, $0x0;
	s5 =	sld [smem:$0x3FB1]  }
0x2b: {  	s6 =	sld [smem:$0x3FB2]  }
0x2c: {  	s7 =	sld [smem:$0x3FB3]  }
0x2d: {  	s3 =	simm.s32 $0x108;
	s8 =	sld [smem:$0x3FB4]  }
0x2e: {  	s3 =	simm.s32 @!p0 $0x1082;
	s9 =	sld [smem:$0x3FB5]  }
0x2f: {  	lr =	sadd.s32 s0, s3;
	s0 =	sld [smem:$0x3FAC]  }
0x30: {  	s3 =	sld [smem:$0x3FAF]  }
0x31: {  	[smem:$0x3FB8] =	sst s10  }
0x32: {  	s10 =	sld [smem:$0x3FB6];
	_ =	sdelay $0x3  }
0x33: {  	p0 =	seq.s32 s10, $0x1;
	s10 =	sld [smem:$0x3FB8];
	_ =	sdelay $0x3  }
0x34: {  	[smem:$0x3FB8] =	sst s10  }
0x35: {  	s10 =	sld [smem:$0x3FB7];
	_ =	sdelay $0x3  }
0x36: {  	p1 =	seq.s32 s10, $0x1;
	s10 =	sld [smem:$0x3FB8];
	_ =	sdelay $0x3  }
0x37: {  	[smem:$0x3FB8] =	sst s10  }
0x38: {  	s10 =	sld [smem:$0x3FB9]  }
0x39: {  	_ = 	snop;
	(pc) =	sbr.ind lr, $3  }
0x3a: {  	_ = 	snop  }
0x3b: {  	_ = 	snop  }
0x3c: {  	p2 =	seq.s32 s10, $0x1;
	s10 =	sld [smem:$0x3FB8]  }
0x3d: {  	_ =	shalt  }
0x3e: {  	_ =	shalt  }
0x3f: {  	_ =	shalt  }
0x40: {  	_ =	shalt  }
0x41: {  	_ =	shalt  }
0x42: {  	_ =	shalt  }
0x43: {  	_ =	shalt  }
0x44: {  	_ =	shalt  }
0x45: {  	_ =	shalt  }
0x46: {  	_ =	shalt  }
0x47: {  	_ =	shalt  }
0x48: {  	_ =	shalt  }
0x49: {  	_ =	shalt  }
0x4a: {  	_ =	shalt  }
0x4b: {  	_ =	shalt  }
0x4c: {  	_ =	shalt  }
0x4d: {  	_ =	shalt  }
0x4e: {  	_ =	shalt  }
0x4f: {  	_ =	shalt  }
0x50: {  	_ =	shalt  }
0x51: {  	_ =	shalt  }
0x52: {  	_ =	shalt  }
0x53: {  	_ =	shalt  }
0x54: {  	_ =	shalt  }
0x55: {  	_ =	shalt  }
0x56: {  	_ =	shalt  }
0x57: {  	_ =	shalt  }
0x58: {  	_ =	shalt  }
0x59: {  	_ =	shalt  }
0x5a: {  	_ =	shalt  }
0x5b: {  	_ =	shalt  }
0x5c: {  	_ =	shalt  }
0x5d: {  	_ =	shalt  }
0x5e: {  	_ =	shalt  }
0x5f: {  	_ =	shalt  }
0x60: {  	_ =	shalt  }
0x61: {  	_ =	shalt  }
0x62: {  	_ =	shalt  }
0x63: {  	_ =	shalt  }
0x64: {  	_ =	shalt  }
0x65: {  	_ =	shalt  }
0x66: {  	_ =	shalt  }
0x67: {  	_ =	shalt  }
0x68: {  	_ =	shalt  }
0x69: {  	_ =	shalt  }
0x6a: {  	_ =	shalt  }
0x6b: {  	_ =	shalt  }
0x6c: {  	_ =	shalt  }
0x6d: {  	_ =	shalt  }
0x6e: {  	_ =	shalt  }
0x6f: {  	_ =	shalt  }
0x70: {  	_ =	shalt  }
0x71: {  	_ =	shalt  }
0x72: {  	_ =	shalt  }
0x73: {  	_ =	shalt  }
0x74: {  	_ =	shalt  }
0x75: {  	_ =	shalt  }
0x76: {  	_ =	shalt  }
0x77: {  	_ =	shalt  }
0x78: {  	_ =	shalt  }
0x79: {  	_ =	shalt  }
0x7a: {  	_ =	shalt  }
0x7b: {  	_ =	shalt  }
0x7c: {  	_ =	shalt  }
0x7d: {  	_ =	shalt  }
0x7e: {  	_ =	shalt  }
0x7f: {  	_ =	shalt  }
0x80: {  	_ =	shalt  }
0x81: {  	_ =	shalt  }
0x82: {  	_ =	shalt  }
0x83: {  	_ =	shalt  }
0x84: {  	_ =	shalt  }
0x85: {  	_ =	shalt  }
0x86: {  	_ =	shalt  }
0x87: {  	_ =	shalt  }
.Lfunc_end0:
.L_simem_size_0:
called_computation_lowered:
.L_overlay_start_0:
0x88: {  	s2 =	sld [smem:$0x3FD9]  }
0x89: {  	s3 =	sld [smem:$0x3FFE];
	_ =	sdelay $0x1  }
0x8a: {  	s1 =	srdreg.scid  }
0x8b: {  	s0 =	sand.u32 $0x1, s1  }
0x8c: {  	s17 =	sshll.u32 s0, $0xA;
	s2 =	sadd.s32 s3, s2  }
0x8d: {  	s2 =	sadd.s32 s2, s17  }
0x8e: {  	[smem:$0x3FC4] =	sst s2  }
0x8f: {  	_ = 	snop  }
0x90: {  	s2 =	sld [smem:$0x3FC8]  }
0x91: {  	s18 =	sld [smem:$0x3FD0];
	(tm) =	ssettm $0x1  }
0x92: {  	s4 =	sld [smem:$0x3FFB];
	_ =	sdelay $0x3  }
0x93: {  	_ =	strace s4  }
0x94: {  	s4 =	sld [smem:$0x3FFC];
	_ =	sdelay $0x3  }
0x95: {  	_ =	strace s4  }
0x96: {  	s4 =	sld [smem:$0x3FFD];
	_ =	sdelay $0x3  }
0x97: {  	_ =	strace s4  }
0x98: {  	_ =	strace $0x8FFFFFFF  }
0x99: {  	s19 =	sld [smem:$0x3FDB];
	_ =	sdelay $0x1  }
0x9a: {  	s5 =	simm.s32 $_scs_section_size  }
0x9b: {  	s6 =	simm.s32 $_size__tile_overlayer_lowered;
	s7 =	simm.s32 $_tile_overlayer_lowered  }
0x9c: {  	s22 =	simm.s32 $0x1BFF;
	s21 =	sshll.u32 s7, $0x1;
	s4 =	sadd.s32 s5, s19  }
0x9d: {  	s8 =	simm.s32 $0x0;
	s20 =	sshll.u32 s6, $0x1;
	s6 =	sadd.s32 s21, s4  }
0x9e: {  	[timem:s8], [sflag:s22] =	dma.local [hbm:s6], s20  }
0x9f: {  	_ =	swait.ge [sflag:s22], s20  }
0xa0: {  	s5 =	ssub.s32 $0x0, s20;
	[sflag:s22] =	ssyncset.done $0x0  }
0xa1: {  	[sflag:s22] =	ssyncadd.s32 s5;
	_ =	sdelay $0x1  }
0xa2: {  	s23 =	simm.s32 $0x1B8B  }
0xa3: {  	_ =	swait.ge [sflag:s23], $0x1  }
0xa4: {  	[sflag:s23] =	ssyncset.done $0x0  }
0xa5: {  	s25 =	simm.s32 $0x1B8E;
	s24 =	sld [smem:$0x3FFE];
	[sflag:s23] =	ssyncadd.s32 $0xFFFFFFFF  }
0xa6: {  	s26 =	simm.s32 $execute0_lowered;
	[smem:$0x3FD2] =	sst s25  }
0xa7: {  	s6 =	sshll.u32 s26, $0x1;
	_ =	strace $0x80000046;
	[dreg:$0x1] =	wrdreg $0xFFFFFFFF  }
0xa8: {  	s28 =	simm.s32 $_size_execute0_lowered;
	s4 =	sadd.s32 s4, s6;
	[dreg:$0x0] =	wrdreg $0x0  }
0xa9: {  	s6 =	sshll.u32 s28, $0x1;
	[dreg:$0x2] =	wrdreg s4  }
0xaa: {  	[dreg:$0x3] =	wrdreg s6  }
0xab: {  	[dreg:$0x4] =	wrdreg $0xC0  }
0xac: {  	_ =	task [dreg:s8], $0x5FFFF  }
0xad: {  	[dreg:$0x1] =	wrdreg $0xFFFFFFFF  }
0xae: {  	[dreg:$0x0] =	wrdreg $0x60  }
0xaf: {  	[dreg:$0x2] =	wrdreg s18  }
0xb0: {  	[dreg:$0x3] =	wrdreg s2  }
0xb1: {  	[dreg:$0x4] =	wrdreg s24  }
0xb2: {  	[dreg:$0x5] =	wrdreg $0x0  }
0xb3: {  	[dreg:$0x6] =	wrdreg $0x9  }
0xb4: {  	_ =	task.clear_ibuf [dreg:s8], $0x7FFFF;
	_ =	strace $0x90000046  }
0xb5: {  	s29 =	simm.s32 $0x9;
	_ =	strace $0x80000048  }
0xb6: {  	_ =	swait.ge [sflag:s29], $0x1  }
0xb7: {  	[sflag:s29] =	ssyncadd.s32 $0xFFFFFFFF  }
0xb8: {  	_ =	strace $0x90000048  }
0xb9: {  	_ =	sfence  }
0xba: {  	s30 =	sld [smem:$0x0];
	_ =	sdelay $0x2  }
0xbb: {  	s31 =	sshll.u32 s1, $0xD;
	s1 =	sshrl.u32 s1, $0x2  }
0xbc: {  	s3 =	sand.u32 $0x4000, s31;
	s1 =	sadd.s32 s1, s30  }
0xbd: {  	s0 =	sor.u32 s3, s0;
	s1 =	sshll.u32 s1, $0x11  }
0xbe: {  	s0 =	sor.u32 s1, s0  }
0xbf: {  	s0 =	sadd.s32 $0x8F2B, s0  }
0xc0: {  	[sflag:s0] =	ssyncadd.remote.s32 $0x1  }
0xc1: {  	_ =	sfence.sel $0xFFFF  }
0xc2: {  	[dreg:$0x0] =	wrdreg $0xFFFFFFFF;
	(pc) =	sbr.abs _section_cstart, $3  }
0xc3: {  	[dreg:$0x1] =	wrdreg $0xFFFFFFFF  }
0xc4: {  	_ =	task.clear_ibuf [dreg:s8], $0x2FFFF;
	_ =	strace $0x9FFFFFFF  }
0xc5: {  	(tm) =	ssettm $0x7FFFFFFF  }
tec
execute0_lowered:
.L_overlay_start_1:
0x0: {  	(tag) =	ssettag $0x1  }
0x1: {  	s1 =	rddreg [dreg:$0x0]  }
0x2: {  	s2 =	rddreg [dreg:$0x1]  }
0x3: {  	s0 =	rddreg [dreg:$0x2]  }
0x4: {  	s4 =	rddreg [dreg:$0x3]  }
0x5: {  	s6 =	srdreg.scid;
	s3 =	stileid.u32  }
0x6: {  	s5 =	simm.s32 $0x0;
	s28 =	simm.s32 $0x13C80;
	s29 =	simm.s32 $0x13980  }
0x7: {  	s30 =	simm.s32 $0x13B80;
	s31 =	simm.s32 $0x6;
	s7 =	smul.u32 $0x190, s3  }
0x8: {  	s6 =	sand.u32 $0x1, s6;
	[smem:$0x7FF] =	sst s5;
	s9 =	smul.u32 $0x32000, s3  }
0x9: {  	s11 =	smul.u32 $0xC800, s3;
	s0 =	sadd.s32 $0x1000, s0;
	s12 =	sshll.u32 s3, $0x6  }
0xa: {  	s21 =	sshll.u32 s3, $0x9;
	p0 =	sgt.u32 s3, $0x8;
	p1 =	sgt.u32 s3, $0x1  }
0xb: {  	s8 =	ssub.s32 $0x2, s6;
	_ =	strace $0x80000047;
	s13 =	sor.u32 $0x1C09, s12  }
0xc: {  	s15 =	sshll.u32 s6, $0x5;
	[dreg:$0x7] =	wrdreg s12;
	s17 =	smul.u32 $0x138800, s6  }
0xd: {  	s6 =	sshll.u32 s6, $0x8;
	s10 =	sshrl.u32 s8, $0x1;
	s7 =	sadd.s32 $0x1900, s7  }
0xe: {  	s9 =	sshrl.u32 s9, $0x2;
	s26 =	sshrl.u32 s11, $0x3;
	[dreg:$0xa] =	wrdreg s13  }
0xf: {  	s16 =	sor.u32 s15, s12;
	s6 =	sor.u32 s6, s21;
	s21 =	simm.s32 $0x13880  }
0x10: {  	s15 =	simm.s32 $0x0;
	s8 =	ssub.s32 s8, s10;
	s9 =	sadd.s32 s9, s4  }
0x11: {  	s10 =	sadd.s32 s1, s26;
	s14 =	sshll.u32 s7, $0x7;
	s7 =	sshll.u32 s7, $0x4  }
0x12: {  	s12 =	sadd.s32 s2, s16;
	s20 =	sadd.s32 s11, s17;
	[dreg:$0x8] =	wrdreg s9  }
0x13: {  	s23 =	sor.u32 $0x4000, s6;
	s25 =	sor.u32 $0x2000, s6;
	[dreg:$0x9] =	wrdreg s10  }
0x14: {  	s6 =	sor.u32 $0x6000, s6;
	s13 =	sadd.s32 s14, s4;
	[dreg:$0xd] =	wrdreg s12  }
0x15: {  	s7 =	sadd.s32 s1, s7;
	s18 =	sadd.s32 $0x13800, s12;
	[dreg:$0x14] =	wrdreg s6  }
0x16: {  	s19 =	sadd.s32 $0x13810, s12;
	s9 =	sadd.s32 s17, s14;
	[dreg:$0xb] =	wrdreg s13  }
0x17: {  	s24 =	sshrl.u32 s23, $0x3;
	s8 =	smax.u32 s8, $0x1;
	[dreg:$0xc] =	wrdreg s7  }
0x18: {  	s23 =	simm.s32 $0x13900;
	s13 =	sadd.s32 $0x10, s2;
	[dreg:$0xf] =	wrdreg s18  }
0x19: {  	s10 =	simm.s32 $0x2;
	[dreg:$0x10] =	wrdreg s19;
	s7 =	sadd.s32 s16, s13  }
0x1a: {  	s22 =	sshrl.u32 s9, $0x3;
	[dreg:$0xe] =	wrdreg s7;
	s7 =	sshrl.u32 s20, $0x3  }
0x1b: {  	[dreg:$0x13] =	wrdreg s8;
	s8 =	simm.s32 $0x7;
	s7 =	sadd.s32 s0, s7  }
0x1c: {  	s9 =	simm.s32 $0x1BC80;
	s0 =	sadd.s32 s0, s22;
	[dreg:$0x11] =	wrdreg s7  }
0x1d: {  	s22 =	simm.s32 $0x13A80;
	[dreg:$0x12] =	wrdreg s0;
	s0 =	sadd.s32 s24, s2  }
0x1e: {  	s7 =	sshrl.u32 s25, $0x3;
	s24 =	simm.s32 $0x13B00;
	s25 =	simm.s32 $0x5  }
0x1f: {  	[dreg:$0x5] =	wrdreg s0;
	s26 =	sadd.s32 s7, s2;
	s0 =	simm.s32 $0x17C80  }
0x20: {  	s7 =	simm.s32 $0x1;
	[dreg:$0x6] =	wrdreg s26;
	s26 =	simm.s32 $0x80  }
.LBB2_1:
0x21: {  	s6 =	rddreg [dreg:$0x8]  }
0x22: {  	s16 =	rddreg [dreg:$0x9]  }
0x23: {  	s11 =	rddreg [dreg:$0xa];
	s12 =	sshrl.u32 s6, $0x3  }
0x24: {  	s6 =	sshll.u32 @!p0 s3, $0x6;
	[dreg:$0x15] =	wrdreg s12  }
0x25: {  	[spmem:s12], [sflag:s11] =	dma.local [hbm:s16], $0x1900  }
0x26: {  	[dreg:$0x16] =	wrdreg s6  }
0x27: {  	s11 =	rddreg [dreg:$0xb]  }
0x28: {  	s12 =	sshrl.u32 @!p0 s11, $0x3;
	s11 =	rddreg [dreg:$0xc]  }
0x29: {  	s6 =	sor.u32 @!p0 $0x1C0A, s6;
	[dreg:$0x17] =	wrdreg s12  }
0x2a: {  	[spmem:s12], [sflag:s6] =	dma.local @!p0 [hbm:s11], $0x1900  }
0x2b: {  	s6 =	rddreg [dreg:$0xd]  }
0x2c: {  	[tilespmem:s21], [sflag:$0x5] =	stream.linear.gather [hbm4b:s6+s5], $0x80, $0x38;
	[tilespmem:$0x1FC80] =	vst v63  }
0x2d: {  	s17 =	rddreg [dreg:$0xe]  }
0x2e: {  	[tilespmem:s22], [sflag:$0x5] =	stream.linear.gather [hbm4b:s17+s5], $0x80, $0x38;
	[tilespmem:$0x1FC80] =	vst v63  }
0x2f: {  	s11 =	simm.s32 @!p1 $0x13A00;
	s12 =	rddreg [dreg:$0xf];
	s6 =	simm.s32 @!p1 $0x0  }
0x30: {  	[tilespmem:s11], [sflag:$0x8] =	stream.linear.gather @!p1 [hbm4b:s12+s6], $0x80, $0x38;
	[tilespmem:$0x1FC80] =	vst v63  }
0x31: {  	p2 =	por $0x1, $0x1;
	s11 =	simm.s32 @!p1 $0x13C00;
	s12 =	rddreg [dreg:$0x10]  }
0x32: {  	[tilespmem:s11], [sflag:$0x8] =	stream.linear.gather @!p1 [hbm4b:s12+s6], $0x80, $0x38;
	[tilespmem:$0x1FC80] =	vst v63  }
0x33: {  	s6 =	simm.s32 @!p2 $0xA  }
0x34: {  	_ =	swait.ge @!p2 [sflag:s6], $0x4000  }
0x35: {  	s18 =	rddreg [dreg:$0x6];
	[sflag:s6] =	ssyncset.done @!p2 $0x0  }
0x36: {  	[sflag:s6] =	ssyncadd.s32 @!p2 $0xFFFFC000;
	s19 =	sadd.s32 $0x0, s18  }
0x37: {  	[tilespmem:s23], [sflag:$0x6] =	stream.linear.gather [hbm4b:s19+s5], $0x80, $0x38;
	[tilespmem:$0x1FC80] =	vst v63  }
0x38: {  	s6 =	sadd.s32 $0x10, s19  }
0x39: {  	[tilespmem:s24], [sflag:$0x6] =	stream.linear.gather [hbm4b:s6+s5], $0x80, $0x38;
	[tilespmem:$0x1FC80] =	vst v63  }
0x3a: {  	_ =	swait.ge [sflag:s25], $0x80  }
0x3b: {  	[sflag:s25] =	ssyncset.done $0x0  }
0x3c: {  	[sflag:s25] =	ssyncadd.s32 $0xFFFFFF80  }
0x3d: {  	_ =	swait.ge [sflag:s25], $0x80  }
0x3e: {  	[sflag:s25] =	ssyncset.done $0x0  }
0x3f: {  	s6 =	simm.s32 @!p2 $0x3;
	[sflag:s25] =	ssyncadd.s32 $0xFFFFFF80  }
0x40: {  	[tilespmem:s28], [sflag:$0x1] =	stream.indirect.gather [hbm4b:s1+s26], $0x80, s21, s26, $0xb8;
	[tilespmem:$0x1FC80] =	vst v63  }
0x41: {  	_ =	swait.ge @!p2 [sflag:s6], $0x4000  }
0x42: {  	s11 =	simm.s32 @!p2 $0x1BC80;
	s12 =	simm.s32 @!p2 $0xB;
	[sflag:s6] =	ssyncset.done @!p2 $0x0  }
0x43: {  	s19 =	simm.s32 @!p2 $0x80;
	[sflag:s6] =	ssyncadd.s32 @!p2 $0xFFFFC000;
	s6 =	simm.s32 @!p2 $0x13B80  }
0x44: {  	[spmem:s4] =	stream.indirect.scatter.add.f32 @!p2 [tilespmem:s11], [sflag:$0xB], $0x80, s6, s19, $0xb8;
	[tilespmem:$0x1FC80] =	vst v63  }
0x45: {  	_ =	swait.ge @!p2 [sflag:s12], $0x4000  }
0x46: {  	s20 =	rddreg [dreg:$0x5];
	[sflag:s12] =	ssyncset.done @!p2 $0x0  }
0x47: {  	[sflag:s12] =	ssyncadd.s32 @!p2 $0xFFFFC000;
	s6 =	sadd.s32 $0x0, s20  }
0x48: {  	[tilespmem:s29], [sflag:$0x7] =	stream.linear.gather [hbm4b:s6+s5], $0x80, $0x38;
	[tilespmem:$0x1FC80] =	vst v63  }
0x49: {  	s6 =	sadd.s32 $0x10, s6  }
0x4a: {  	[tilespmem:s30], [sflag:$0x7] =	stream.linear.gather [hbm4b:s6+s5], $0x80, $0x38;
	[tilespmem:$0x1FC80] =	vst v63  }
0x4b: {  	_ =	swait.ge [sflag:s31], $0x80  }
0x4c: {  	[sflag:s31] =	ssyncset.done $0x0  }
0x4d: {  	[sflag:s31] =	ssyncadd.s32 $0xFFFFFF80  }
0x4e: {  	_ =	swait.ge [sflag:s31], $0x80  }
0x4f: {  	p2 =	por $0x0, $0x0;
	[sflag:s31] =	ssyncset.done $0x0  }
0x50: {  	s6 =	simm.s32 @!p2 $0x9;
	[sflag:s31] =	ssyncadd.s32 $0xFFFFFF80  }
0x51: {  	[tilespmem:s0], [sflag:$0x2] =	stream.indirect.gather [hbm4b:s1+s26], $0x80, s23, s26, $0xb8;
	[tilespmem:$0x1FC80] =	vst v63  }
0x52: {  	p3 =	sgt.u32 @!p2 s3, $0x8;
	_ =	swait.ge @!p2 [sflag:s6], $0x1900  }
0x53: {  	p3 =	por p3, p2;
	[sflag:s6] =	ssyncset.done @!p2 $0x0  }
0x54: {  	s11 =	simm.s32 @!p3 $0xA;
	[sflag:s6] =	ssyncadd.s32 @!p2 $0xFFFFE700  }
0x55: {  	_ =	swait.ge @!p3 [sflag:s11], $0x1900  }
0x56: {  	[sflag:s11] =	ssyncset.done @!p3 $0x0  }
0x57: {  	[sflag:s11] =	ssyncadd.s32 @!p3 $0xFFFFE700  }
0x58: {  	[bflag:$0x0] =	sbarrier.arrive @!p2 $0xFFFF  }
0x59: {  	_ =	swait.ge [sflag:s7], $0x4000  }
0x5a: {  	p2 =	por $0x0, $0x0;
	[sflag:s7] =	ssyncset.done $0x0  }
0x5b: {  	s6 =	simm.s32 @!p2 $0x9;
	[sflag:s7] =	ssyncadd.s32 $0xFFFFC000  }
0x5c: {  	[spmem:s4] =	stream.indirect.scatter.add.f32 [tilespmem:s28], [sflag:$0x9], $0x80, s22, s26, $0xb8;
	[tilespmem:$0x1FC80] =	vst v63  }
0x5d: {  	s14 =	rddreg [dreg:$0x14];
	_ =	swait.ge @!p2 [sflag:s6], $0x4000  }
0x5e: {  	s19 =	simm.s32 @!p2 $0x0;
	s11 =	sshrl.u32 @!p2 s14, $0x3;
	[sflag:s6] =	ssyncset.done @!p2 $0x0  }
0x5f: {  	s12 =	sadd.s32 @!p2 s2, s11;
	[sflag:s6] =	ssyncadd.s32 @!p2 $0xFFFFC000;
	s6 =	simm.s32 @!p2 $0x13880  }
0x60: {  	[tilespmem:s6], [sflag:$0x5] =	stream.linear.gather @!p2 [hbm4b:s12+s19], $0x80, $0x38;
	[tilespmem:$0x1FC80] =	vst v63  }
0x61: {  	s6 =	sadd.s32 @!p2 s11, s13;
	s11 =	simm.s32 @!p2 $0x13A80  }
0x62: {  	[tilespmem:s11], [sflag:$0x5] =	stream.linear.gather @!p2 [hbm4b:s6+s19], $0x80, $0x38;
	[tilespmem:$0x1FC80] =	vst v63  }
0x63: {  	_ =	swait.ge [sflag:s8], $0x80  }
0x64: {  	[sflag:s8] =	ssyncset.done $0x0  }
0x65: {  	[sflag:s8] =	ssyncadd.s32 $0xFFFFFF80  }
0x66: {  	_ =	swait.ge [sflag:s8], $0x80  }
0x67: {  	[sflag:s8] =	ssyncset.done $0x0  }
0x68: {  	p3 =	por $0x0, $0x0;
	s12 =	simm.s32 $0x1800;
	[sflag:s8] =	ssyncadd.s32 $0xFFFFFF80  }
0x69: {  	[tilespmem:s9], [sflag:$0x3] =	stream.indirect.gather [hbm4b:s1+s26], $0x80, s29, s26, $0xb8;
	[tilespmem:$0x1FC80] =	vst v63  }
0x6a: {  	s19 =	simm.s32 $0xC00;
	s6 =	sadd.s32 $0x6000, s14;
	_ =	swait.ge [sflag:s10], $0x4000  }
.LBB2_2:
0x6b: {  	[sflag:s10] =	ssyncset.done $0x0  }
0x6c: {  	s14 =	simm.s32 @!p3 $0xA;
	[sflag:s10] =	ssyncadd.s32 $0xFFFFC000  }
0x6d: {  	[spmem:s4] =	stream.indirect.scatter.add.f32 [tilespmem:s0], [sflag:$0xA], $0x80, s24, s26, $0xb8;
	[tilespmem:$0x1FC80] =	vst v63  }
0x6e: {  	_ =	swait.ge @!p3 [sflag:s14], $0x4000  }
0x6f: {  	[sflag:s14] =	ssyncset.done @!p3 $0x0;
	s20 =	rddreg [dreg:$0x6]  }
0x70: {  	[sflag:s14] =	ssyncadd.s32 @!p3 $0xFFFFC000;
	s18 =	sadd.s32 s19, s20  }
0x71: {  	[tilespmem:s23], [sflag:$0x6] =	stream.linear.gather [hbm4b:s18+s5], $0x80, $0x38;
	[tilespmem:$0x1FC80] =	vst v63  }
0x72: {  	s14 =	sadd.s32 $0x10, s18  }
0x73: {  	[tilespmem:s24], [sflag:$0x6] =	stream.linear.gather [hbm4b:s14+s5], $0x80, $0x38;
	[tilespmem:$0x1FC80] =	vst v63  }
0x74: {  	_ =	swait.ge [sflag:s25], $0x80  }
0x75: {  	[sflag:s25] =	ssyncset.done $0x0  }
0x76: {  	[sflag:s25] =	ssyncadd.s32 $0xFFFFFF80  }
0x77: {  	_ =	swait.ge [sflag:s25], $0x80  }
0x78: {  	[sflag:s25] =	ssyncset.done $0x0  }
0x79: {  	s14 =	simm.s32 @!p3 $0x3;
	[sflag:s25] =	ssyncadd.s32 $0xFFFFFF80  }
0x7a: {  	[tilespmem:s28], [sflag:$0x1] =	stream.indirect.gather [hbm4b:s1+s26], $0x80, s21, s26, $0xb8;
	[tilespmem:$0x1FC80] =	vst v63  }
0x7b: {  	_ =	swait.ge @!p3 [sflag:s14], $0x4000  }
0x7c: {  	s16 =	simm.s32 @!p3 $0xB;
	s17 =	simm.s32 @!p3 $0x80;
	[sflag:s14] =	ssyncset.done @!p3 $0x0  }
0x7d: {  	s20 =	simm.s32 @!p3 $0x1BC80;
	s18 =	simm.s32 @!p3 $0x13B80;
	[sflag:s14] =	ssyncadd.s32 @!p3 $0xFFFFC000  }
0x7e: {  	[spmem:s4] =	stream.indirect.scatter.add.f32 @!p3 [tilespmem:s20], [sflag:$0xB], $0x80, s18, s17, $0xb8;
	[tilespmem:$0x1FC80] =	vst v63  }
0x7f: {  	_ =	swait.ge @!p3 [sflag:s16], $0x4000  }
0x80: {  	s20 =	rddreg [dreg:$0x5];
	[sflag:s16] =	ssyncset.done @!p3 $0x0  }
0x81: {  	[sflag:s16] =	ssyncadd.s32 @!p3 $0xFFFFC000;
	s14 =	sadd.s32 s19, s20  }
0x82: {  	[tilespmem:s29], [sflag:$0x7] =	stream.linear.gather [hbm4b:s14+s5], $0x80, $0x38;
	[tilespmem:$0x1FC80] =	vst v63  }
0x83: {  	s14 =	sadd.s32 $0x10, s14  }
0x84: {  	[tilespmem:s30], [sflag:$0x7] =	stream.linear.gather [hbm4b:s14+s5], $0x80, $0x38;
	[tilespmem:$0x1FC80] =	vst v63  }
0x85: {  	_ =	swait.ge [sflag:s31], $0x80  }
0x86: {  	[sflag:s31] =	ssyncset.done $0x0  }
0x87: {  	[sflag:s31] =	ssyncadd.s32 $0xFFFFFF80  }
0x88: {  	_ =	swait.ge [sflag:s31], $0x80  }
0x89: {  	p3 =	sne.s32 s19, $0x0;
	[sflag:s31] =	ssyncset.done $0x0  }
0x8a: {  	s14 =	simm.s32 @!p3 $0x9;
	[sflag:s31] =	ssyncadd.s32 $0xFFFFFF80  }
0x8b: {  	[tilespmem:s0], [sflag:$0x2] =	stream.indirect.gather [hbm4b:s1+s26], $0x80, s23, s26, $0xb8;
	[tilespmem:$0x1FC80] =	vst v63  }
0x8c: {  	p4 =	sgt.u32 @!p3 s3, $0x8;
	_ =	swait.ge @!p3 [sflag:s14], $0x1900  }
0x8d: {  	p4 =	por p4, p3;
	[sflag:s14] =	ssyncset.done @!p3 $0x0  }
0x8e: {  	s16 =	simm.s32 @!p4 $0xA;
	[sflag:s14] =	ssyncadd.s32 @!p3 $0xFFFFE700  }
0x8f: {  	_ =	swait.ge @!p4 [sflag:s16], $0x1900  }
0x90: {  	[sflag:s16] =	ssyncset.done @!p4 $0x0  }
0x91: {  	[sflag:s16] =	ssyncadd.s32 @!p4 $0xFFFFE700  }
0x92: {  	[bflag:$0x0] =	sbarrier.arrive @!p3 $0xFFFF  }
0x93: {  	_ =	swait.ge [sflag:s7], $0x4000  }
0x94: {  	s11 =	smov.u32 s12;
	p3 =	seq.s32 s19, $0x12C00;
	[sflag:s7] =	ssyncset.done $0x0  }
0x95: {  	s19 =	smov.u32 s11;
	s11 =	simm.s32 @!p3 $0x9;
	[sflag:s7] =	ssyncadd.s32 $0xFFFFC000  }
0x96: {  	[spmem:s4] =	stream.indirect.scatter.add.f32 [tilespmem:s28], [sflag:$0x9], $0x80, s22, s26, $0xb8;
	[tilespmem:$0x1FC80] =	vst v63  }
0x97: {  	_ =	swait.ge @!p3 [sflag:s11], $0x4000  }
0x98: {  	s14 =	sshrl.u32 @!p3 s6, $0x3;
	s17 =	simm.s32 @!p3 $0x0;
	[sflag:s11] =	ssyncset.done @!p3 $0x0  }
0x99: {  	s18 =	simm.s32 @!p3 $0x13880;
	s16 =	sadd.s32 @!p3 s2, s14;
	[sflag:s11] =	ssyncadd.s32 @!p3 $0xFFFFC000  }
0x9a: {  	[tilespmem:s18], [sflag:$0x5] =	stream.linear.gather @!p3 [hbm4b:s16+s17], $0x80, $0x38;
	[tilespmem:$0x1FC80] =	vst v63  }
0x9b: {  	s14 =	sadd.s32 @!p3 s14, s13;
	s11 =	simm.s32 @!p3 $0x13A80  }
0x9c: {  	[tilespmem:s11], [sflag:$0x5] =	stream.linear.gather @!p3 [hbm4b:s14+s17], $0x80, $0x38;
	[tilespmem:$0x1FC80] =	vst v63  }
0x9d: {  	_ =	swait.ge [sflag:s8], $0x80  }
0x9e: {  	s12 =	sadd.s32 $0xC00, s12;
	[sflag:s8] =	ssyncset.done $0x0  }
0x9f: {  	p2 =	sne.s32 s12, $0x13800;
	[sflag:s8] =	ssyncadd.s32 $0xFFFFFF80  }
.Ltmp0:
0xa0: {  	_ =	swait.ge [sflag:s8], $0x80;
	(pc) =	sbr.rel @p2 .LBB2_2-.Ltmp0, $4  }
0xa1: {  	[sflag:s8] =	ssyncset.done $0x0  }
0xa2: {  	[sflag:s8] =	ssyncadd.s32 $0xFFFFFF80  }
0xa3: {  	[tilespmem:s9], [sflag:$0x3] =	stream.indirect.gather [hbm4b:s1+s26], $0x80, s29, s26, $0xb8;
	[tilespmem:$0x1FC80] =	vst v63  }
0xa4: {  	s6 =	sadd.s32 $0x6000, s6;
	p3 =	seq.s32 s19, $0x0;
	_ =	swait.ge [sflag:s10], $0x4000  }
0xa5: {  	[sflag:s10] =	ssyncset.done $0x0  }
0xa6: {  	s11 =	simm.s32 @!p3 $0xA;
	[sflag:s10] =	ssyncadd.s32 $0xFFFFC000  }
0xa7: {  	[spmem:s4] =	stream.indirect.scatter.add.f32 [tilespmem:s0], [sflag:$0xA], $0x80, s24, s26, $0xb8;
	[tilespmem:$0x1FC80] =	vst v63  }
0xa8: {  	_ =	swait.ge @!p3 [sflag:s11], $0x4000  }
0xa9: {  	s12 =	rddreg [dreg:$0x6];
	[sflag:s11] =	ssyncset.done @!p3 $0x0  }
0xaa: {  	[sflag:s11] =	ssyncadd.s32 @!p3 $0xFFFFC000;
	s18 =	sadd.s32 s19, s12  }
0xab: {  	[tilespmem:s23], [sflag:$0x6] =	stream.linear.gather [hbm4b:s18+s5], $0x80, $0x38;
	[tilespmem:$0x1FC80] =	vst v63  }
0xac: {  	s11 =	sadd.s32 $0x10, s18  }
0xad: {  	[tilespmem:s24], [sflag:$0x6] =	stream.linear.gather [hbm4b:s11+s5], $0x80, $0x38;
	[tilespmem:$0x1FC80] =	vst v63  }
0xae: {  	_ =	swait.ge [sflag:s25], $0x80  }
0xaf: {  	[sflag:s25] =	ssyncset.done $0x0  }
0xb0: {  	[sflag:s25] =	ssyncadd.s32 $0xFFFFFF80  }
0xb1: {  	_ =	swait.ge [sflag:s25], $0x80  }
0xb2: {  	[sflag:s25] =	ssyncset.done $0x0  }
0xb3: {  	s11 =	simm.s32 @!p3 $0x3;
	[sflag:s25] =	ssyncadd.s32 $0xFFFFFF80  }
0xb4: {  	[tilespmem:s28], [sflag:$0x1] =	stream.indirect.gather [hbm4b:s1+s26], $0x80, s21, s26, $0xb8;
	[tilespmem:$0x1FC80] =	vst v63  }
0xb5: {  	_ =	swait.ge @!p3 [sflag:s11], $0x4000  }
0xb6: {  	s14 =	simm.s32 @!p3 $0x80;
	[sflag:s11] =	ssyncset.done @!p3 $0x0  }
0xb7: {  	s12 =	simm.s32 @!p3 $0x1BC80;
	[sflag:s11] =	ssyncadd.s32 @!p3 $0xFFFFC000;
	s11 =	simm.s32 @!p3 $0x13B80  }
0xb8: {  	[spmem:s4] =	stream.indirect.scatter.add.f32 @!p3 [tilespmem:s12], [sflag:$0xB], $0x80, s11, s14, $0xb8;
	[tilespmem:$0x1FC80] =	vst v63  }
0xb9: {  	s11 =	simm.s32 @!p3 $0xB  }
0xba: {  	_ =	swait.ge @!p3 [sflag:s11], $0x4000  }
0xbb: {  	s20 =	rddreg [dreg:$0x5];
	[sflag:s11] =	ssyncset.done @!p3 $0x0  }
0xbc: {  	[sflag:s11] =	ssyncadd.s32 @!p3 $0xFFFFC000;
	s12 =	sadd.s32 s19, s20  }
0xbd: {  	[tilespmem:s29], [sflag:$0x7] =	stream.linear.gather [hbm4b:s12+s5], $0x80, $0x38;
	[tilespmem:$0x1FC80] =	vst v63  }
0xbe: {  	s11 =	sadd.s32 $0x10, s12  }
0xbf: {  	[tilespmem:s30], [sflag:$0x7] =	stream.linear.gather [hbm4b:s11+s5], $0x80, $0x38;
	[tilespmem:$0x1FC80] =	vst v63  }
0xc0: {  	_ =	swait.ge [sflag:s31], $0x80  }
0xc1: {  	[sflag:s31] =	ssyncset.done $0x0  }
0xc2: {  	[sflag:s31] =	ssyncadd.s32 $0xFFFFFF80  }
0xc3: {  	_ =	swait.ge [sflag:s31], $0x80  }
0xc4: {  	p2 =	sne.s32 s19, $0x0;
	[sflag:s31] =	ssyncset.done $0x0  }
0xc5: {  	s11 =	simm.s32 @!p2 $0x9;
	[sflag:s31] =	ssyncadd.s32 $0xFFFFFF80  }
0xc6: {  	[tilespmem:s0], [sflag:$0x2] =	stream.indirect.gather [hbm4b:s1+s26], $0x80, s23, s26, $0xb8;
	[tilespmem:$0x1FC80] =	vst v63  }
0xc7: {  	p3 =	sgt.u32 @!p2 s3, $0x8;
	_ =	swait.ge @!p2 [sflag:s11], $0x1900  }
0xc8: {  	p3 =	por p3, p2;
	[sflag:s11] =	ssyncset.done @!p2 $0x0  }
0xc9: {  	s12 =	simm.s32 @!p3 $0xA;
	[sflag:s11] =	ssyncadd.s32 @!p2 $0xFFFFE700  }
0xca: {  	_ =	swait.ge @!p3 [sflag:s12], $0x1900  }
0xcb: {  	[sflag:s12] =	ssyncset.done @!p3 $0x0  }
0xcc: {  	[sflag:s12] =	ssyncadd.s32 @!p3 $0xFFFFE700  }
0xcd: {  	[bflag:$0x0] =	sbarrier.arrive @!p2 $0xFFFF  }
0xce: {  	_ =	swait.ge [sflag:s7], $0x4000  }
0xcf: {  	p2 =	seq.s32 s19, $0x12C00;
	[sflag:s7] =	ssyncset.done $0x0  }
0xd0: {  	s11 =	simm.s32 @!p2 $0x9;
	[sflag:s7] =	ssyncadd.s32 $0xFFFFC000  }
0xd1: {  	[spmem:s4] =	stream.indirect.scatter.add.f32 [tilespmem:s28], [sflag:$0x9], $0x80, s22, s26, $0xb8;
	[tilespmem:$0x1FC80] =	vst v63  }
0xd2: {  	_ =	swait.ge @!p2 [sflag:s11], $0x4000  }
0xd3: {  	s6 =	sshrl.u32 @!p2 s6, $0x3;
	s14 =	simm.s32 @!p2 $0x0;
	[sflag:s11] =	ssyncset.done @!p2 $0x0  }
0xd4: {  	s12 =	sadd.s32 @!p2 s2, s6;
	[sflag:s11] =	ssyncadd.s32 @!p2 $0xFFFFC000;
	s11 =	simm.s32 @!p2 $0x13880  }
0xd5: {  	[tilespmem:s11], [sflag:$0x5] =	stream.linear.gather @!p2 [hbm4b:s12+s14], $0x80, $0x38;
	[tilespmem:$0x1FC80] =	vst v63  }
0xd6: {  	s6 =	sadd.s32 @!p2 s6, s13;
	s11 =	simm.s32 @!p2 $0x13A80  }
0xd7: {  	[tilespmem:s11], [sflag:$0x5] =	stream.linear.gather @!p2 [hbm4b:s6+s14], $0x80, $0x38;
	[tilespmem:$0x1FC80] =	vst v63  }
0xd8: {  	_ =	swait.ge [sflag:s8], $0x80  }
0xd9: {  	[sflag:s8] =	ssyncset.done $0x0  }
0xda: {  	[sflag:s8] =	ssyncadd.s32 $0xFFFFFF80  }
0xdb: {  	_ =	swait.ge [sflag:s8], $0x80  }
0xdc: {  	[sflag:s8] =	ssyncset.done $0x0  }
0xdd: {  	[sflag:s8] =	ssyncadd.s32 $0xFFFFFF80  }
0xde: {  	[tilespmem:s9], [sflag:$0x3] =	stream.indirect.gather [hbm4b:s1+s26], $0x80, s29, s26, $0xb8;
	[tilespmem:$0x1FC80] =	vst v63  }
0xdf: {  	_ =	swait.ge [sflag:s10], $0x4000  }
0xe0: {  	[sflag:s10] =	ssyncset.done $0x0  }
0xe1: {  	s14 =	simm.s32 $0x3;
	[sflag:s10] =	ssyncadd.s32 $0xFFFFC000  }
0xe2: {  	[spmem:s4] =	stream.indirect.scatter.add.f32 [tilespmem:s0], [sflag:$0xA], $0x80, s24, s26, $0xb8;
	[tilespmem:$0x1FC80] =	vst v63  }
0xe3: {  	_ =	swait.ge [sflag:s14], $0x4000  }
0xe4: {  	[sflag:s14] =	ssyncset.done $0x0  }
0xe5: {  	s16 =	simm.s32 $0x9;
	[sflag:s14] =	ssyncadd.s32 $0xFFFFC000  }
0xe6: {  	[spmem:s4] =	stream.indirect.scatter.add.f32 [tilespmem:s9], [sflag:$0xB], $0x80, s30, s26, $0xb8;
	[tilespmem:$0x1FC80] =	vst v63  }
0xe7: {  	_ =	swait.ge [sflag:s16], $0x4000  }
0xe8: {  	[sflag:s16] =	ssyncset.done $0x0  }
0xe9: {  	s6 =	simm.s32 @p1 $0xA;
	[sflag:s16] =	ssyncadd.s32 $0xFFFFC000  }
0xea: {  	_ =	swait.ge @p1 [sflag:s6], $0x4000  }
0xeb: {  	[sflag:s6] =	ssyncset.done @p1 $0x0  }
0xec: {  	[sflag:s6] =	ssyncadd.s32 @p1 $0xFFFFC000;
	s6 =	simm.s32 @!p1 $0x8  }
0xed: {  	_ =	swait.ge @!p1 [sflag:s6], $0x80  }
0xee: {  	[sflag:s6] =	ssyncset.done @!p1 $0x0  }
0xef: {  	[sflag:s6] =	ssyncadd.s32 @!p1 $0xFFFFFF80  }
0xf0: {  	_ =	swait.ge @!p1 [sflag:s6], $0x80  }
0xf1: {  	s12 =	simm.s32 @!p1 $0x13C80;
	[sflag:s6] =	ssyncset.done @!p1 $0x0  }
0xf2: {  	s11 =	simm.s32 @!p1 $0x13A00;
	[sflag:s6] =	ssyncadd.s32 @!p1 $0xFFFFFF80;
	s6 =	simm.s32 @!p1 $0x80  }
0xf3: {  	[tilespmem:s12], [sflag:$0x4] =	stream.indirect.gather @!p1 [hbm4b:s1+s6], $0x80, s11, s6, $0xb8;
	[tilespmem:$0x1FC80] =	vst v63  }
0xf4: {  	s11 =	simm.s32 @!p1 $0xA  }
0xf5: {  	_ =	swait.ge @!p1 [sflag:s11], $0x4000  }
0xf6: {  	[sflag:s11] =	ssyncset.done @!p1 $0x0  }
0xf7: {  	[sflag:s11] =	ssyncadd.s32 @!p1 $0xFFFFC000;
	s11 =	simm.s32 @!p1 $0xB  }
0xf8: {  	_ =	swait.ge @!p1 [sflag:s11], $0x4000  }
0xf9: {  	[sflag:s11] =	ssyncset.done @!p1 $0x0  }
0xfa: {  	[sflag:s11] =	ssyncadd.s32 @!p1 $0xFFFFC000;
	s11 =	simm.s32 @!p1 $0x4  }
0xfb: {  	_ =	swait.ge @!p1 [sflag:s11], $0x4000  }
0xfc: {  	[sflag:s11] =	ssyncset.done @!p1 $0x0  }
0xfd: {  	[sflag:s11] =	ssyncadd.s32 @!p1 $0xFFFFC000;
	s11 =	simm.s32 @!p1 $0x13C00  }
0xfe: {  	[spmem:s4] =	stream.indirect.scatter.add.f32 @!p1 [tilespmem:s12], [sflag:$0xC], $0x80, s11, s6, $0xb8;
	[tilespmem:$0x1FC80] =	vst v63  }
0xff: {  	s6 =	simm.s32 @!p1 $0xC  }
0x100: {  	s6 =	simm.s32 @p1 $0xB  }
0x101: {  	_ =	swait.ge [sflag:s6], $0x4000  }
0x102: {  	[sflag:s6] =	ssyncset.done $0x0  }
0x103: {  	[sflag:s6] =	ssyncadd.s32 $0xFFFFC000  }
0x104: {  	[bflag:$0x0] =	sbarrier.arrive $0xFFFF  }
0x105: {  	s17 =	rddreg [dreg:$0x7]  }
0x106: {  	s18 =	rddreg [dreg:$0x11]  }
0x107: {  	s19 =	rddreg [dreg:$0x15];
	s6 =	sor.u32 $0x1C05, s17  }
0x108: {  	[hbm:s18], [sflag:s6] =	dma.local [spmem:s19], $0x1900  }
0x109: {  	s6 =	rddreg [dreg:$0x16]  }
0x10a: {  	s11 =	rddreg [dreg:$0x12]  }
0x10b: {  	s12 =	rddreg [dreg:$0x17];
	s6 =	sor.u32 @!p0 $0x1C06, s6  }
0x10c: {  	[hbm:s11], [sflag:s6] =	dma.local @!p0 [spmem:s12], $0x1900  }
0x10d: {  	s6 =	simm.s32 @!p0 $0x5  }
0x10e: {  	_ =	swait.ge @!p0 [sflag:s6], $0x1900  }
0x10f: {  	s11 =	simm.s32 @!p0 $0x6;
	[sflag:s6] =	ssyncset.done @!p0 $0x0  }
0x110: {  	s11 =	simm.s32 @p0 $0x5;
	[sflag:s6] =	ssyncadd.s32 @!p0 $0xFFFFE700  }
0x111: {  	_ =	swait.ge [sflag:s11], $0x1900  }
0x112: {  	s15 =	sadd.s32 $0x1, s15;
	s20 =	rddreg [dreg:$0x13]  }
0x113: {  	p2 =	sne.s32 s15, s20  }
.Ltmp1:
0x114: {  	_ = 	snop;
	(pc) =	sbr.rel @p2 .LBB2_1-.Ltmp1, $3  }
0x115: {  	_ =	sdelay $0x1  }
0x116: {  	[sflag:s11] =	ssyncset.done $0x0  }
0x117: {  	[sflag:s11] =	ssyncadd.s32 $0xFFFFE700  }
0x118: {  	_ =	sfence.sel $0x180000  }
0x119: {  	[bflag:$0x0] =	sbarrier.arrive $0xFFFF  }
0x11a: {  	_ =	strace $0x90000047  }
0x11b: {  	[bflag:$0x2] =	sbarrier.arrive $0xFFFF  }
0x11c: {  	p0 =	sne.s32 s3, $0x0;
	s0 =	rddreg [dreg:$0x4]  }
0x11d: {  	s0 =	sadd.s32 @!p0 $0x100000, s0  }
0x11e: {  	[sflag:s0] =	ssyncadd.tile.s32 @!p0 $0x1;
	_ =	shalt  }
.Lfunc_end2:
_tile_overlayer_lowered:
.L_overlay_start_2:
0x11f: {  	(tag) =	ssettag $0x2  }
0x120: {  	s0 =	rddreg [dreg:$0x0];
	s2 =	stileid.u32  }
0x121: {  	s1 =	rddreg [dreg:$0x1];
	p0 =	sne.s32 s2, $0x0  }
0x122: {  	s3 =	rddreg [dreg:$0x2];
	[bflag:$0x3] =	sbarrier.arrive $0xFFFF;
	s2 =	simm.s32 @!p0 $0x1C0D  }
0x123: {  	[timem:s3], [sflag:s2] =	dma.local @!p0 [hbm:s0], s1  }
0x124: {  	s0 =	simm.s32 @!p0 $0xD  }
0x125: {  	_ =	swait.ge @!p0 [sflag:s0], s1  }
0x126: {  	s1 =	ssub.s32 @!p0 $0x0, s1;
	[sflag:s0] =	ssyncset.done @!p0 $0x0  }
0x127: {  	[sflag:s0] =	ssyncadd.s32 @!p0 s1  }
0x128: {  	[bflag:$0x3] =	sbarrier.arrive $0xFFFF  }
0x129: {  	_ =	shalt  }

</sc_bundles>
